<compile_context>
chip_gen: v7x
topology: tpu7x:2x2x1
jax: 0.10.2.dev20260603
libtpu: 0.0.44.dev20260713+nightly
codegen_flags: <defaults>
</compile_context>

<pallas_src>
import jax
import jax.numpy as jnp
from jax import lax
from jax.experimental import pallas as pl
from jax.experimental.pallas import tpu as pltpu
from jax.experimental.pallas import tpu_sc as plsc

M = 100000
D = 128
B = 16384
C = 100
L = 16
NW = 32
RW = 3200
CHB = 800
NBY = RW // CHB
NCHUNK = B // L
CAP = RW + L
BM = 5000


def _copy_body(i_ref, o_ref):
    o_ref[...] = i_ref[...]


def _tc_copy(a):
    return pl.pallas_call(
        _copy_body,
        out_shape=jax.ShapeDtypeStruct(a.shape, a.dtype),
        grid=(M // BM,),
        in_specs=[pl.BlockSpec((BM, a.shape[1]), lambda i: (i, 0))],
        out_specs=pl.BlockSpec((BM, a.shape[1]), lambda i: (i, 0)),
    )(a)


def _pad_body(i_ref, o_ref):
    o_ref[:, pl.ds(0, C)] = i_ref[...]


def _tc_pad(a):
    return pl.pallas_call(
        _pad_body,
        out_shape=jax.ShapeDtypeStruct((M, D), jnp.float32),
        grid=(M // BM,),
        in_specs=[pl.BlockSpec((BM, C), lambda i: (i, 0))],
        out_specs=pl.BlockSpec((BM, D), lambda i: (i, 0)),
    )(a)


def _slice_body(i_ref, o_ref):
    o_ref[...] = i_ref[:, pl.ds(0, C)]


def _tc_slice(a):
    return pl.pallas_call(
        _slice_body,
        out_shape=jax.ShapeDtypeStruct((M, C), jnp.float32),
        grid=(M // BM,),
        in_specs=[pl.BlockSpec((BM, D), lambda i: (i, 0))],
        out_specs=pl.BlockSpec((BM, C), lambda i: (i, 0)),
    )(a)


def _body(rbx, rlgp, by_h, bt_h, x_h, lnp_h, byn_h, idx_h, tv_h,
          out_by, out_bt,
          idx_v, byn_v, win_v, rows_v, src_v,
          cby, cbt, gx0, gx1, gl0, gl1, tbuf,
          sg0, sg1, ss0, ss1):
    cid = lax.axis_index("c")
    sid = lax.axis_index("s")
    wid = cid * 16 + sid
    lo = wid * RW
    hi = jnp.minimum(lo + RW, M)
    iota = lax.iota(jnp.int32, L)

    gx = (gx0, gx1)
    gl = (gl0, gl1)
    sg = (sg0, sg1)
    ss = (ss0, ss1)

    pltpu.sync_copy(idx_h, idx_v)
    pltpu.sync_copy(byn_h, byn_v)
    pltpu.sync_copy(tv_h, tbuf)
    tvec = tbuf[...]

    neg1 = jnp.full((L,), -1, jnp.int32)

    def init_b(k, carry):
        win_v[pl.ds(k * L, L)] = neg1
        return carry
    lax.fori_loop(0, RW // L, init_b, 0)

    def scan_b(k, carry):
        v = idx_v[pl.ds(k * L, L)]
        m = (v >= lo) & (v < hi)
        cnt = jnp.sum(m.astype(jnp.int32))
        local = jnp.where(m, v - lo, 0)
        gi = k * L + iota

        @pl.when(cnt == 1)
        def _():
            plsc.store_scatter(win_v, [local], gi, mask=m)

        @pl.when(cnt > 1)
        def _():
            for j in range(L):
                plsc.store_scatter(win_v, [local], gi, mask=m & (iota == j))
        return carry
    lax.fori_loop(0, NCHUNK, scan_b, 0)

    def byt_b(k, carry):
        r = pl.multiple_of(jnp.minimum(lo + k * CHB, hi - CHB), 8)
        lb = r - lo
        pltpu.sync_copy(by_h.at[pl.ds(r, CHB)], cby.at[pl.ds(0, CHB)])
        pltpu.sync_copy(bt_h.at[pl.ds(r, CHB)], cbt.at[pl.ds(0, CHB)])

        def upd_b(j, carry2):
            w = win_v[pl.ds(lb + j * L, L)]
            mv = w >= 0
            vals = plsc.load_gather(byn_v, [jnp.where(mv, w, 0)])
            rsafe = jnp.where(mv, j * L + iota, CHB)
            plsc.store_scatter(cby, [rsafe], vals, mask=mv)
            plsc.store_scatter(cbt, [rsafe], tvec, mask=mv)
            return carry2
        lax.fori_loop(0, CHB // L, upd_b, 0)
        pltpu.sync_copy(cby.at[pl.ds(0, CHB)], out_by.at[pl.ds(r, CHB)])
        pltpu.sync_copy(cbt.at[pl.ds(0, CHB)], out_bt.at[pl.ds(r, CHB)])
        return carry
    lax.fori_loop(0, NBY, byt_b, 0)

    def comp_b(j, off):
        w = win_v[pl.ds(j * L, L)]
        mv = w >= 0
        plsc.store_compressed(rows_v.at[pl.ds(off, L)], lo + j * L + iota,
                              mask=mv)
        plsc.store_compressed(src_v.at[pl.ds(off, L)], w, mask=mv)
        return off + jnp.sum(mv.astype(jnp.int32))
    n_upd = lax.fori_loop(0, RW // L, comp_b, jnp.int32(0))
    n_g = (n_upd + L - 1) // L

    def drain(bb):
        pltpu.make_async_copy(gx[bb], rbx.at[iota], ss[bb]).wait()
        pltpu.make_async_copy(gl[bb], rlgp.at[iota], ss[bb]).wait()

    def pair_b(p, carry):
        for bb in range(2):
            g = p * 2 + bb

            @pl.when(g < n_g)
            def _():
                goff = pl.multiple_of(g * L, 8)
                rem = n_upd - g * L
                rvec = rows_v[pl.ds(goff, L)]
                svec = src_v[pl.ds(goff, L)]
                valid = iota < rem
                rvec = jnp.where(valid, rvec, rvec[0])
                svec = jnp.where(valid, svec, svec[0])

                @pl.when(g >= 2)
                def _():
                    drain(bb)
                c_x = pltpu.make_async_copy(x_h.at[svec], gx[bb], sg[bb])
                c_l = pltpu.make_async_copy(lnp_h.at[svec], gl[bb], sg[bb])
                c_x.start(); c_l.start()
                c_x.wait(); c_l.wait()
                pltpu.make_async_copy(gx[bb], rbx.at[rvec], ss[bb]).start()
                pltpu.make_async_copy(gl[bb], rlgp.at[rvec], ss[bb]).start()
        return carry
    lax.fori_loop(0, (n_g + 1) // 2, pair_b, 0)

    @pl.when(n_g >= 1)
    def _():
        drain(0)

    @pl.when(n_g >= 2)
    def _():
        drain(1)


@jax.jit
def _run(bx, logits_buf, by_buf, bt_buf, x, lnp, by_new, idx, tvec):
    cbx = _tc_copy(bx)
    clgp = _tc_pad(logits_buf)
    rbx = jax.new_ref(cbx)
    rlgp = jax.new_ref(clgp)
    f = pl.kernel(
        _body,
        out_type=(
            jax.ShapeDtypeStruct((M,), jnp.int32),
            jax.ShapeDtypeStruct((M,), jnp.int32),
        ),
        mesh=plsc.VectorSubcoreMesh(core_axis_name="c", subcore_axis_name="s"),
        compiler_params=pltpu.CompilerParams(needs_layout_passes=False),
        scratch_types=[
            pltpu.VMEM((B,), jnp.int32),
            pltpu.VMEM((B,), jnp.int32),
            pltpu.VMEM((RW,), jnp.int32),
            pltpu.VMEM((CAP,), jnp.int32),
            pltpu.VMEM((CAP,), jnp.int32),
            pltpu.VMEM((CHB + 1,), jnp.int32),
            pltpu.VMEM((CHB + 1,), jnp.int32),
            pltpu.VMEM((L, D), jnp.float32),
            pltpu.VMEM((L, D), jnp.float32),
            pltpu.VMEM((L, D), jnp.float32),
            pltpu.VMEM((L, D), jnp.float32),
            pltpu.VMEM((L,), jnp.int32),
            pltpu.SemaphoreType.DMA,
            pltpu.SemaphoreType.DMA,
            pltpu.SemaphoreType.DMA,
            pltpu.SemaphoreType.DMA,
        ],
    )
    out_by, out_bt = f(rbx, rlgp, by_buf, bt_buf, x, lnp, by_new, idx, tvec)
    out_bx = rbx[...]
    out_lg = _tc_slice(rlgp[...])
    return out_bx, out_by, out_bt, out_lg


def kernel(bx, logits_buf, by_buf, bt_buf, x, logits_new, by_new, idx, t):
    tvec = jnp.full((L,), t, dtype=jnp.int32)
    lnp = jnp.pad(logits_new, ((0, 0), (0, D - C)))
    return _run(bx, logits_buf, by_buf, bt_buf, x, lnp,
                by_new.astype(jnp.int32), idx.astype(jnp.int32), tvec)

# --- scband reference (transcript-rebuilt; emitter-appended) ---
"""Pipeline reference for scband-buffer-29635274342826 (READ-ONLY COPY).

The authoritative reference and input builder live on the scoring server;
editing this copy changes nothing except your own understanding.
"""

import jax, jax.numpy as jnp
import numpy as np

M = 100000  # buffer slots (args.mem_size, economy=1 since args.gen=False)
D = 128     # input_size
B = 16384   # incoming batch
C = 100     # n_classes


def setup_inputs(seed: int = 0) -> dict:
    key = jax.random.key(seed)
    k1, k2, k3, k4, k5, k6, k7 = jax.random.split(key, 7)
    bx = jax.random.normal(k1, (M, D), dtype=jnp.float32)
    logits_buf = jax.random.normal(k2, (M, C), dtype=jnp.float32)
    by_buf = jax.random.randint(k3, (M,), 0, C, dtype=jnp.int32)
    bt_buf = jnp.zeros((M,), dtype=jnp.int32)
    x = jax.random.normal(k4, (B, D), dtype=jnp.float32)
    logits_new = jax.random.normal(k5, (B, C), dtype=jnp.float32)
    by_new = jax.random.randint(k6, (B,), 0, C, dtype=jnp.int32)
    # reservoir indices: uniform in [0, n_seen_so_far) with n_seen_so_far = 2*M;
    # indices >= M are invalid and dropped (matches `valid_indices = indices < bx.size(0)`)
    idx = jax.random.randint(k7, (B,), 0, 2 * M, dtype=jnp.int32)
    t = 5
    return {"bx": bx, "logits_buf": logits_buf, "by_buf": by_buf, "bt_buf": bt_buf,
            "x": x, "logits_new": logits_new, "by_new": by_new, "idx": idx, "t": t}


def reference(bx, logits_buf, by_buf, bt_buf, x, logits_new, by_new, idx, t):
    # Faithful translation of Buffer.add_reservoir on a full buffer
    # (place_left == 0, so only the reservoir-overwrite path executes):
    #   self.bx[idx_buffer]     = x[idx_new_data]
    #   self.by[idx_buffer]     = y[idx_new_data]
    #   self.bt[idx_buffer]     = t
    #   self.logits[idx_buffer] = logits[idx_new_data]
    # Invalid indices (>= M) are filtered in torch via nonzero(); here mode='drop'
    # drops out-of-bounds scatter writes, which is equivalent.
    new_bx = bx.at[idx].set(x, mode="drop")
    new_by = by_buf.at[idx].set(by_new, mode="drop")
    new_bt = bt_buf.at[idx].set(jnp.full((idx.shape[0],), t, dtype=bt_buf.dtype), mode="drop")
    new_logits = logits_buf.at[idx].set(logits_new, mode="drop")
    return (new_bx, new_by, new_bt, new_logits)

if __name__ == "__main__":
    import jax
    _d = setup_inputs()
    print(jax.jit(kernel)(*tuple(_d.values())))

</pallas_src>

<mosaic_0001>
#map = affine_map<(d0, d1) -> (0, 0)>
#map1 = affine_map<(d0, d1) -> (0)>
module attributes {stable_mosaic.version = 14 : i64} {
  func.func @new_body(%arg0: i32, %arg1: i32, %arg2: memref<100000x128xf32, #tpu.memory_space<hbm>>, %arg3: memref<100000x128xf32, #tpu.memory_space<hbm>>, %arg4: memref<100000xi32, #tpu.memory_space<hbm>>, %arg5: memref<100000xi32, #tpu.memory_space<hbm>>, %arg6: memref<16384x128xf32, #tpu.memory_space<hbm>>, %arg7: memref<16384x128xf32, #tpu.memory_space<hbm>>, %arg8: memref<16384xi32, #tpu.memory_space<hbm>>, %arg9: memref<16384xi32, #tpu.memory_space<hbm>>, %arg10: memref<16xi32, #tpu.memory_space<hbm>>, %arg11: memref<100000xi32, #tpu.memory_space<hbm>>, %arg12: memref<100000xi32, #tpu.memory_space<hbm>>, %arg13: memref<100000x128xf32, #tpu.memory_space<hbm>>, %arg14: memref<100000x128xf32, #tpu.memory_space<hbm>>, %arg15: memref<16384xi32, #tpu.memory_space<vmem>>, %arg16: memref<16384xi32, #tpu.memory_space<vmem>>, %arg17: memref<3200xi32, #tpu.memory_space<vmem>>, %arg18: memref<3216xi32, #tpu.memory_space<vmem>>, %arg19: memref<3216xi32, #tpu.memory_space<vmem>>, %arg20: memref<801xi32, #tpu.memory_space<vmem>>, %arg21: memref<801xi32, #tpu.memory_space<vmem>>, %arg22: memref<16x128xf32, #tpu.memory_space<vmem>>, %arg23: memref<16x128xf32, #tpu.memory_space<vmem>>, %arg24: memref<16x128xf32, #tpu.memory_space<vmem>>, %arg25: memref<16x128xf32, #tpu.memory_space<vmem>>, %arg26: memref<16xi32, #tpu.memory_space<vmem>>, %arg27: memref<!tpu.dma_semaphore, #tpu.memory_space<semaphore_mem>>, %arg28: memref<!tpu.dma_semaphore, #tpu.memory_space<semaphore_mem>>, %arg29: memref<!tpu.dma_semaphore, #tpu.memory_space<semaphore_mem>>, %arg30: memref<!tpu.dma_semaphore, #tpu.memory_space<semaphore_mem>>) attributes {dimension_semantics = [#tpu.dimension_semantics<core_parallel>, #tpu.dimension_semantics<subcore_parallel>], iteration_bounds = array<i64: 2, 16>, scalar_prefetch = 0 : i64, scratch_operands = 16 : i64, tpu.core_type = #tpu.core_type<sc_vector_subcore>, window_params = [{transform_indices = #map}, {transform_indices = #map}, {transform_indices = #map1}, {transform_indices = #map1}, {transform_indices = #map}, {transform_indices = #map}, {transform_indices = #map1}, {transform_indices = #map1}, {transform_indices = #map1}, {transform_indices = #map1}, {transform_indices = #map1}, {transform_indices = #map}, {transform_indices = #map}]} {
    %mul3A = arith.constant 16 : i32
    %mul3A_0 = arith.muli %arg0, %mul3A : i32
    %add3A = arith.addi %mul3A_0, %arg1 : i32
    %mul3A_1 = arith.constant 3200 : i32
    %mul3A_2 = arith.muli %add3A, %mul3A_1 : i32
    %add3A_3 = arith.constant 3200 : i32
    %add3A_4 = arith.addi %mul3A_2, %add3A_3 : i32
    %min3A = arith.constant 100000 : i32
    %min3A_5 = arith.minsi %add3A_4, %min3A : i32
    %iota3A = tpu.iota {dimensions = array<i32: 0>} : vector<16xi32>
    "tpu.region"() ({
      %run_scoped3A = tpu.sem_alloc : memref<!tpu.dma_semaphore, #tpu.memory_space<semaphore_mem>>
      tpu.enqueue_dma source(%arg9 : memref<16384xi32, #tpu.memory_space<hbm>>) target(%arg15 : memref<16384xi32, #tpu.memory_space<vmem>>) target_semaphore(%run_scoped3A : memref<!tpu.dma_semaphore, #tpu.memory_space<semaphore_mem>>)
      tpu.wait_dma2 semaphore(%run_scoped3A : memref<!tpu.dma_semaphore, #tpu.memory_space<semaphore_mem>>) src(%arg9 : memref<16384xi32, #tpu.memory_space<hbm>>) dst(%arg15 : memref<16384xi32, #tpu.memory_space<vmem>>)
      tpu.yield
    }) : () -> ()
    "tpu.region"() ({
      %run_scoped3A = tpu.sem_alloc : memref<!tpu.dma_semaphore, #tpu.memory_space<semaphore_mem>>
      tpu.enqueue_dma source(%arg8 : memref<16384xi32, #tpu.memory_space<hbm>>) target(%arg16 : memref<16384xi32, #tpu.memory_space<vmem>>) target_semaphore(%run_scoped3A : memref<!tpu.dma_semaphore, #tpu.memory_space<semaphore_mem>>)
      tpu.wait_dma2 semaphore(%run_scoped3A : memref<!tpu.dma_semaphore, #tpu.memory_space<semaphore_mem>>) src(%arg8 : memref<16384xi32, #tpu.memory_space<hbm>>) dst(%arg16 : memref<16384xi32, #tpu.memory_space<vmem>>)
      tpu.yield
    }) : () -> ()
    "tpu.region"() ({
      %run_scoped3A = tpu.sem_alloc : memref<!tpu.dma_semaphore, #tpu.memory_space<semaphore_mem>>
      tpu.enqueue_dma source(%arg10 : memref<16xi32, #tpu.memory_space<hbm>>) target(%arg26 : memref<16xi32, #tpu.memory_space<vmem>>) target_semaphore(%run_scoped3A : memref<!tpu.dma_semaphore, #tpu.memory_space<semaphore_mem>>)
      tpu.wait_dma2 semaphore(%run_scoped3A : memref<!tpu.dma_semaphore, #tpu.memory_space<semaphore_mem>>) src(%arg10 : memref<16xi32, #tpu.memory_space<hbm>>) dst(%arg26 : memref<16xi32, #tpu.memory_space<vmem>>)
      tpu.yield
    }) : () -> ()
    %get3A = arith.constant 0 : index
    %get3A_6 = tpu.vector_load %arg26[%get3A] {strides = array<i32>} : memref<16xi32, #tpu.memory_space<vmem>>, vector<16xi32>,
    %broadcast_in_dim3A = arith.constant -1 : i32
    %broadcast_in_dim3A_7 = vector.broadcast %broadcast_in_dim3A : i32 to vector<16xi32>
    %scan3A = arith.constant 0 : i32
    %scan3A_8 = arith.constant 0 : i32
    %scan3A_9 = arith.constant 200 : i32
    %scan3A_10 = arith.addi %scan3A_8, %scan3A_9 : i32
    %scan3A_11 = arith.constant 1 : i32
    scf.for %scan3A_94 = %scan3A_8 to %scan3A_10 step %scan3A_11  : i32 {
      %mul3A_95 = arith.constant 16 : i32
      %mul3A_96 = arith.muli %scan3A_94, %mul3A_95 : i32
      %swap3A = arith.index_cast %mul3A_96 : i32 to index
      %swap3A_97 = tpu.vector_load %arg17[%swap3A] {strides = array<i32>} : memref<3200xi32, #tpu.memory_space<vmem>>, vector<16xi32>,
      tpu.vector_store %arg17[%swap3A], %broadcast_in_dim3A_7 {strides = array<i32>} : memref<3200xi32, #tpu.memory_space<vmem>>, vector<16xi32>,
    }
    %scan3A_12 = arith.constant 200 : i32
    %scan3A_13 = arith.constant 0 : i32
    %scan3A_14 = arith.constant 0 : i32
    %scan3A_15 = arith.constant 1024 : i32
    %scan3A_16 = arith.addi %scan3A_14, %scan3A_15 : i32
    %scan3A_17 = arith.constant 1 : i32
    scf.for %scan3A_94 = %scan3A_14 to %scan3A_16 step %scan3A_17  : i32 {
      %mul3A_95 = arith.constant 16 : i32
      %mul3A_96 = arith.muli %scan3A_94, %mul3A_95 : i32
      %get3A_97 = arith.index_cast %mul3A_96 : i32 to index
      %get3A_98 = tpu.vector_load %arg15[%get3A_97] {strides = array<i32>} : memref<16384xi32, #tpu.memory_space<vmem>>, vector<16xi32>,
      %ge3A_99 = vector.broadcast %mul3A_2 : i32 to vector<16xi32>
      %ge3A_100 = arith.cmpi sge, %get3A_98, %ge3A_99 : vector<16xi32>
      %lt3A = vector.broadcast %min3A_5 : i32 to vector<16xi32>
      %lt3A_101 = arith.cmpi slt, %get3A_98, %lt3A : vector<16xi32>
      %and3A_102 = arith.andi %ge3A_100, %lt3A_101 : vector<16xi1>
      %convert_element_type3A_103 = arith.extui %and3A_102 : vector<16xi1> to vector<16xi32>
      %reduce_sum3A = arith.constant true
      %reduce_sum3A_104 = vector.broadcast %reduce_sum3A : i1 to vector<16xi1>
      %reduce_sum3A_105 = tpu.scan <sum>, %convert_element_type3A_103 masked %reduce_sum3A_104 : vector<16xi32>, vector<16xi1> -> vector<16xi32>
      %reduce_sum3A_106 = vector.extract %reduce_sum3A_105[15] : i32 from vector<16xi32>
      %sub3A_107 = vector.broadcast %mul3A_2 : i32 to vector<16xi32>
      %sub3A_108 = arith.subi %get3A_98, %sub3A_107 : vector<16xi32>
      %jit3A_109 = arith.constant 0 : i32
      %broadcast_in_dim3A_110 = vector.broadcast %jit3A_109 : i32 to vector<16xi32>
      %select_n3A_111 = arith.select %and3A_102, %sub3A_108, %broadcast_in_dim3A_110 : vector<16xi1>, vector<16xi32>
      %mul3A_112 = arith.constant 16 : i32
      %mul3A_113 = arith.muli %scan3A_94, %mul3A_112 : i32
      %add3A_114 = vector.broadcast %mul3A_113 : i32 to vector<16xi32>
      %add3A_115 = arith.addi %add3A_114, %iota3A : vector<16xi32>
      %eq3A = arith.constant 1 : i32
      %eq3A_116 = arith.cmpi eq, %reduce_sum3A_106, %eq3A : i32
      %convert_element_type3A_117 = arith.extui %eq3A_116 : i1 to i32
      %cond3A_118 = arith.constant 0 : i32
      %cond3A_119 = arith.cmpi ne, %convert_element_type3A_117, %cond3A_118 : i32
      scf.if %cond3A_119 {
        tpu.vector_store_idx %arg17[%select_n3A_111], %add3A_115 masked %and3A_102 : memref<3200xi32, #tpu.memory_space<vmem>>[vector<16xi32>], vector<16xi32>, vector<16xi1>
      } else {
      }
      %gt3A = arith.constant 1 : i32
      %gt3A_120 = arith.cmpi sgt, %reduce_sum3A_106, %gt3A : i32
      %convert_element_type3A_121 = arith.extui %gt3A_120 : i1 to i32
      %cond3A_122 = arith.constant 0 : i32
      %cond3A_123 = arith.cmpi ne, %convert_element_type3A_121, %cond3A_122 : i32
      scf.if %cond3A_123 {
        %eq3A_124 = arith.constant 0 : i32
        %eq3A_125 = vector.broadcast %eq3A_124 : i32 to vector<16xi32>
        %eq3A_126 = arith.cmpi eq, %iota3A, %eq3A_125 : vector<16xi32>
        %and3A_127 = arith.andi %and3A_102, %eq3A_126 : vector<16xi1>
        tpu.vector_store_idx %arg17[%select_n3A_111], %add3A_115 masked %and3A_127 : memref<3200xi32, #tpu.memory_space<vmem>>[vector<16xi32>], vector<16xi32>, vector<16xi1>
        %eq3A_128 = arith.constant 1 : i32
        %eq3A_129 = vector.broadcast %eq3A_128 : i32 to vector<16xi32>
        %eq3A_130 = arith.cmpi eq, %iota3A, %eq3A_129 : vector<16xi32>
        %and3A_131 = arith.andi %and3A_102, %eq3A_130 : vector<16xi1>
        tpu.vector_store_idx %arg17[%select_n3A_111], %add3A_115 masked %and3A_131 : memref<3200xi32, #tpu.memory_space<vmem>>[vector<16xi32>], vector<16xi32>, vector<16xi1>
        %eq3A_132 = arith.constant 2 : i32
        %eq3A_133 = vector.broadcast %eq3A_132 : i32 to vector<16xi32>
        %eq3A_134 = arith.cmpi eq, %iota3A, %eq3A_133 : vector<16xi32>
        %and3A_135 = arith.andi %and3A_102, %eq3A_134 : vector<16xi1>
        tpu.vector_store_idx %arg17[%select_n3A_111], %add3A_115 masked %and3A_135 : memref<3200xi32, #tpu.memory_space<vmem>>[vector<16xi32>], vector<16xi32>, vector<16xi1>
        %eq3A_136 = arith.constant 3 : i32
        %eq3A_137 = vector.broadcast %eq3A_136 : i32 to vector<16xi32>
        %eq3A_138 = arith.cmpi eq, %iota3A, %eq3A_137 : vector<16xi32>
        %and3A_139 = arith.andi %and3A_102, %eq3A_138 : vector<16xi1>
        tpu.vector_store_idx %arg17[%select_n3A_111], %add3A_115 masked %and3A_139 : memref<3200xi32, #tpu.memory_space<vmem>>[vector<16xi32>], vector<16xi32>, vector<16xi1>
        %eq3A_140 = arith.constant 4 : i32
        %eq3A_141 = vector.broadcast %eq3A_140 : i32 to vector<16xi32>
        %eq3A_142 = arith.cmpi eq, %iota3A, %eq3A_141 : vector<16xi32>
        %and3A_143 = arith.andi %and3A_102, %eq3A_142 : vector<16xi1>
        tpu.vector_store_idx %arg17[%select_n3A_111], %add3A_115 masked %and3A_143 : memref<3200xi32, #tpu.memory_space<vmem>>[vector<16xi32>], vector<16xi32>, vector<16xi1>
        %eq3A_144 = arith.constant 5 : i32
        %eq3A_145 = vector.broadcast %eq3A_144 : i32 to vector<16xi32>
        %eq3A_146 = arith.cmpi eq, %iota3A, %eq3A_145 : vector<16xi32>
        %and3A_147 = arith.andi %and3A_102, %eq3A_146 : vector<16xi1>
        tpu.vector_store_idx %arg17[%select_n3A_111], %add3A_115 masked %and3A_147 : memref<3200xi32, #tpu.memory_space<vmem>>[vector<16xi32>], vector<16xi32>, vector<16xi1>
        %eq3A_148 = arith.constant 6 : i32
        %eq3A_149 = vector.broadcast %eq3A_148 : i32 to vector<16xi32>
        %eq3A_150 = arith.cmpi eq, %iota3A, %eq3A_149 : vector<16xi32>
        %and3A_151 = arith.andi %and3A_102, %eq3A_150 : vector<16xi1>
        tpu.vector_store_idx %arg17[%select_n3A_111], %add3A_115 masked %and3A_151 : memref<3200xi32, #tpu.memory_space<vmem>>[vector<16xi32>], vector<16xi32>, vector<16xi1>
        %eq3A_152 = arith.constant 7 : i32
        %eq3A_153 = vector.broadcast %eq3A_152 : i32 to vector<16xi32>
        %eq3A_154 = arith.cmpi eq, %iota3A, %eq3A_153 : vector<16xi32>
        %and3A_155 = arith.andi %and3A_102, %eq3A_154 : vector<16xi1>
        tpu.vector_store_idx %arg17[%select_n3A_111], %add3A_115 masked %and3A_155 : memref<3200xi32, #tpu.memory_space<vmem>>[vector<16xi32>], vector<16xi32>, vector<16xi1>
        %eq3A_156 = arith.constant 8 : i32
        %eq3A_157 = vector.broadcast %eq3A_156 : i32 to vector<16xi32>
        %eq3A_158 = arith.cmpi eq, %iota3A, %eq3A_157 : vector<16xi32>
        %and3A_159 = arith.andi %and3A_102, %eq3A_158 : vector<16xi1>
        tpu.vector_store_idx %arg17[%select_n3A_111], %add3A_115 masked %and3A_159 : memref<3200xi32, #tpu.memory_space<vmem>>[vector<16xi32>], vector<16xi32>, vector<16xi1>
        %eq3A_160 = arith.constant 9 : i32
        %eq3A_161 = vector.broadcast %eq3A_160 : i32 to vector<16xi32>
        %eq3A_162 = arith.cmpi eq, %iota3A, %eq3A_161 : vector<16xi32>
        %and3A_163 = arith.andi %and3A_102, %eq3A_162 : vector<16xi1>
        tpu.vector_store_idx %arg17[%select_n3A_111], %add3A_115 masked %and3A_163 : memref<3200xi32, #tpu.memory_space<vmem>>[vector<16xi32>], vector<16xi32>, vector<16xi1>
        %eq3A_164 = arith.constant 10 : i32
        %eq3A_165 = vector.broadcast %eq3A_164 : i32 to vector<16xi32>
        %eq3A_166 = arith.cmpi eq, %iota3A, %eq3A_165 : vector<16xi32>
        %and3A_167 = arith.andi %and3A_102, %eq3A_166 : vector<16xi1>
        tpu.vector_store_idx %arg17[%select_n3A_111], %add3A_115 masked %and3A_167 : memref<3200xi32, #tpu.memory_space<vmem>>[vector<16xi32>], vector<16xi32>, vector<16xi1>
        %eq3A_168 = arith.constant 11 : i32
        %eq3A_169 = vector.broadcast %eq3A_168 : i32 to vector<16xi32>
        %eq3A_170 = arith.cmpi eq, %iota3A, %eq3A_169 : vector<16xi32>
        %and3A_171 = arith.andi %and3A_102, %eq3A_170 : vector<16xi1>
        tpu.vector_store_idx %arg17[%select_n3A_111], %add3A_115 masked %and3A_171 : memref<3200xi32, #tpu.memory_space<vmem>>[vector<16xi32>], vector<16xi32>, vector<16xi1>
        %eq3A_172 = arith.constant 12 : i32
        %eq3A_173 = vector.broadcast %eq3A_172 : i32 to vector<16xi32>
        %eq3A_174 = arith.cmpi eq, %iota3A, %eq3A_173 : vector<16xi32>
        %and3A_175 = arith.andi %and3A_102, %eq3A_174 : vector<16xi1>
        tpu.vector_store_idx %arg17[%select_n3A_111], %add3A_115 masked %and3A_175 : memref<3200xi32, #tpu.memory_space<vmem>>[vector<16xi32>], vector<16xi32>, vector<16xi1>
        %eq3A_176 = arith.constant 13 : i32
        %eq3A_177 = vector.broadcast %eq3A_176 : i32 to vector<16xi32>
        %eq3A_178 = arith.cmpi eq, %iota3A, %eq3A_177 : vector<16xi32>
        %and3A_179 = arith.andi %and3A_102, %eq3A_178 : vector<16xi1>
        tpu.vector_store_idx %arg17[%select_n3A_111], %add3A_115 masked %and3A_179 : memref<3200xi32, #tpu.memory_space<vmem>>[vector<16xi32>], vector<16xi32>, vector<16xi1>
        %eq3A_180 = arith.constant 14 : i32
        %eq3A_181 = vector.broadcast %eq3A_180 : i32 to vector<16xi32>
        %eq3A_182 = arith.cmpi eq, %iota3A, %eq3A_181 : vector<16xi32>
        %and3A_183 = arith.andi %and3A_102, %eq3A_182 : vector<16xi1>
        tpu.vector_store_idx %arg17[%select_n3A_111], %add3A_115 masked %and3A_183 : memref<3200xi32, #tpu.memory_space<vmem>>[vector<16xi32>], vector<16xi32>, vector<16xi1>
        %eq3A_184 = arith.constant 15 : i32
        %eq3A_185 = vector.broadcast %eq3A_184 : i32 to vector<16xi32>
        %eq3A_186 = arith.cmpi eq, %iota3A, %eq3A_185 : vector<16xi32>
        %and3A_187 = arith.andi %and3A_102, %eq3A_186 : vector<16xi1>
        tpu.vector_store_idx %arg17[%select_n3A_111], %add3A_115 masked %and3A_187 : memref<3200xi32, #tpu.memory_space<vmem>>[vector<16xi32>], vector<16xi32>, vector<16xi1>
      } else {
      }
    }
    %scan3A_18 = arith.constant 1024 : i32
    %scan3A_19 = arith.constant 0 : i32
    %scan3A_20 = arith.constant 0 : i32
    %scan3A_21 = arith.constant 4 : i32
    %scan3A_22 = arith.addi %scan3A_20, %scan3A_21 : i32
    %scan3A_23 = arith.constant 1 : i32
    scf.for %scan3A_94 = %scan3A_20 to %scan3A_22 step %scan3A_23  : i32 {
      %mul3A_95 = arith.constant 800 : i32
      %mul3A_96 = arith.muli %scan3A_94, %mul3A_95 : i32
      %add3A_97 = arith.addi %mul3A_2, %mul3A_96 : i32
      %sub3A_98 = arith.constant 800 : i32
      %sub3A_99 = arith.subi %min3A_5, %sub3A_98 : i32
      %min3A_100 = arith.minsi %add3A_97, %sub3A_99 : i32
      %multiple_of3A = tpu.assume_multiple %min3A_100, 8 : i32
      %sub3A_101 = arith.subi %multiple_of3A, %mul3A_2 : i32
      "tpu.region"() ({
        %run_scoped3A = tpu.sem_alloc : memref<!tpu.dma_semaphore, #tpu.memory_space<semaphore_mem>>
        %dma_start3A = arith.constant 0 : i32
        %dma_start3A_108 = tpu.memref_slice %arg20[%dma_start3A] : memref<801xi32, #tpu.memory_space<vmem>> -> memref<800xi32, #tpu.memory_space<vmem>>
        %dma_start3A_109 = tpu.memref_slice %arg4[%multiple_of3A] : memref<100000xi32, #tpu.memory_space<hbm>> -> memref<800xi32, #tpu.memory_space<hbm>>
        %dma_start3A_110 = arith.constant 0 : i32
        %dma_start3A_111 = tpu.memref_slice %arg20[%dma_start3A_110] : memref<801xi32, #tpu.memory_space<vmem>> -> memref<800xi32, #tpu.memory_space<vmem>>
        %dma_start3A_112 = tpu.memref_slice %arg4[%multiple_of3A] : memref<100000xi32, #tpu.memory_space<hbm>> -> memref<800xi32, #tpu.memory_space<hbm>>
        tpu.enqueue_dma source(%dma_start3A_112 : memref<800xi32, #tpu.memory_space<hbm>>) target(%dma_start3A_111 : memref<800xi32, #tpu.memory_space<vmem>>) target_semaphore(%run_scoped3A : memref<!tpu.dma_semaphore, #tpu.memory_space<semaphore_mem>>)
        %dma_wait3A = arith.constant 0 : i32
        %dma_wait3A_113 = tpu.memref_slice %arg20[%dma_wait3A] : memref<801xi32, #tpu.memory_space<vmem>> -> memref<800xi32, #tpu.memory_space<vmem>>
        %dma_wait3A_114 = tpu.memref_slice %arg4[%multiple_of3A] : memref<100000xi32, #tpu.memory_space<hbm>> -> memref<800xi32, #tpu.memory_space<hbm>>
        %dma_wait3A_115 = arith.constant 0 : i32
        %dma_wait3A_116 = tpu.memref_slice %arg20[%dma_wait3A_115] : memref<801xi32, #tpu.memory_space<vmem>> -> memref<800xi32, #tpu.memory_space<vmem>>
        %dma_wait3A_117 = tpu.memref_slice %arg4[%multiple_of3A] : memref<100000xi32, #tpu.memory_space<hbm>> -> memref<800xi32, #tpu.memory_space<hbm>>
        tpu.wait_dma2 semaphore(%run_scoped3A : memref<!tpu.dma_semaphore, #tpu.memory_space<semaphore_mem>>) src(%dma_wait3A_117 : memref<800xi32, #tpu.memory_space<hbm>>) dst(%dma_wait3A_116 : memref<800xi32, #tpu.memory_space<vmem>>)
        tpu.yield
      }) : () -> ()
      "tpu.region"() ({
        %run_scoped3A = tpu.sem_alloc : memref<!tpu.dma_semaphore, #tpu.memory_space<semaphore_mem>>
        %dma_start3A = arith.constant 0 : i32
        %dma_start3A_108 = tpu.memref_slice %arg21[%dma_start3A] : memref<801xi32, #tpu.memory_space<vmem>> -> memref<800xi32, #tpu.memory_space<vmem>>
        %dma_start3A_109 = tpu.memref_slice %arg5[%multiple_of3A] : memref<100000xi32, #tpu.memory_space<hbm>> -> memref<800xi32, #tpu.memory_space<hbm>>
        %dma_start3A_110 = arith.constant 0 : i32
        %dma_start3A_111 = tpu.memref_slice %arg21[%dma_start3A_110] : memref<801xi32, #tpu.memory_space<vmem>> -> memref<800xi32, #tpu.memory_space<vmem>>
        %dma_start3A_112 = tpu.memref_slice %arg5[%multiple_of3A] : memref<100000xi32, #tpu.memory_space<hbm>> -> memref<800xi32, #tpu.memory_space<hbm>>
        tpu.enqueue_dma source(%dma_start3A_112 : memref<800xi32, #tpu.memory_space<hbm>>) target(%dma_start3A_111 : memref<800xi32, #tpu.memory_space<vmem>>) target_semaphore(%run_scoped3A : memref<!tpu.dma_semaphore, #tpu.memory_space<semaphore_mem>>)
        %dma_wait3A = arith.constant 0 : i32
        %dma_wait3A_113 = tpu.memref_slice %arg21[%dma_wait3A] : memref<801xi32, #tpu.memory_space<vmem>> -> memref<800xi32, #tpu.memory_space<vmem>>
        %dma_wait3A_114 = tpu.memref_slice %arg5[%multiple_of3A] : memref<100000xi32, #tpu.memory_space<hbm>> -> memref<800xi32, #tpu.memory_space<hbm>>
        %dma_wait3A_115 = arith.constant 0 : i32
        %dma_wait3A_116 = tpu.memref_slice %arg21[%dma_wait3A_115] : memref<801xi32, #tpu.memory_space<vmem>> -> memref<800xi32, #tpu.memory_space<vmem>>
        %dma_wait3A_117 = tpu.memref_slice %arg5[%multiple_of3A] : memref<100000xi32, #tpu.memory_space<hbm>> -> memref<800xi32, #tpu.memory_space<hbm>>
        tpu.wait_dma2 semaphore(%run_scoped3A : memref<!tpu.dma_semaphore, #tpu.memory_space<semaphore_mem>>) src(%dma_wait3A_117 : memref<800xi32, #tpu.memory_space<hbm>>) dst(%dma_wait3A_116 : memref<800xi32, #tpu.memory_space<vmem>>)
        tpu.yield
      }) : () -> ()
      %scan3A_102 = arith.constant 0 : i32
      %scan3A_103 = arith.constant 0 : i32
      %scan3A_104 = arith.constant 50 : i32
      %scan3A_105 = arith.addi %scan3A_103, %scan3A_104 : i32
      %scan3A_106 = arith.constant 1 : i32
      scf.for %scan3A_108 = %scan3A_103 to %scan3A_105 step %scan3A_106  : i32 {
        %mul3A_109 = arith.constant 16 : i32
        %mul3A_110 = arith.muli %scan3A_108, %mul3A_109 : i32
        %add3A_111 = arith.addi %sub3A_101, %mul3A_110 : i32
        %get3A_112 = arith.index_cast %add3A_111 : i32 to index
        %get3A_113 = tpu.vector_load %arg17[%get3A_112] {strides = array<i32>} : memref<3200xi32, #tpu.memory_space<vmem>>, vector<16xi32>,
        %ge3A_114 = arith.constant 0 : i32
        %ge3A_115 = vector.broadcast %ge3A_114 : i32 to vector<16xi32>
        %ge3A_116 = arith.cmpi sge, %get3A_113, %ge3A_115 : vector<16xi32>
        %jit3A_117 = arith.constant 0 : i32
        %broadcast_in_dim3A_118 = vector.broadcast %jit3A_117 : i32 to vector<16xi32>
        %select_n3A_119 = arith.select %ge3A_116, %get3A_113, %broadcast_in_dim3A_118 : vector<16xi1>, vector<16xi32>
        %gather3A = tpu.vector_load_idx %arg16[%select_n3A_119] : memref<16384xi32, #tpu.memory_space<vmem>>[vector<16xi32>], vector<16xi32>,
        %mul3A_120 = arith.constant 16 : i32
        %mul3A_121 = arith.muli %scan3A_108, %mul3A_120 : i32
        %add3A_122 = vector.broadcast %mul3A_121 : i32 to vector<16xi32>
        %add3A_123 = arith.addi %add3A_122, %iota3A : vector<16xi32>
        %jit3A_124 = arith.constant 800 : i32
        %broadcast_in_dim3A_125 = vector.broadcast %jit3A_124 : i32 to vector<16xi32>
        %select_n3A_126 = arith.select %ge3A_116, %add3A_123, %broadcast_in_dim3A_125 : vector<16xi1>, vector<16xi32>
        tpu.vector_store_idx %arg20[%select_n3A_126], %gather3A masked %ge3A_116 : memref<801xi32, #tpu.memory_space<vmem>>[vector<16xi32>], vector<16xi32>, vector<16xi1>
        tpu.vector_store_idx %arg21[%select_n3A_126], %get3A_6 masked %ge3A_116 : memref<801xi32, #tpu.memory_space<vmem>>[vector<16xi32>], vector<16xi32>, vector<16xi1>
      }
      %scan3A_107 = arith.constant 50 : i32
      "tpu.region"() ({
        %run_scoped3A = tpu.sem_alloc : memref<!tpu.dma_semaphore, #tpu.memory_space<semaphore_mem>>
        %dma_start3A = arith.constant 0 : i32
        %dma_start3A_108 = tpu.memref_slice %arg20[%dma_start3A] : memref<801xi32, #tpu.memory_space<vmem>> -> memref<800xi32, #tpu.memory_space<vmem>>
        %dma_start3A_109 = tpu.memref_slice %arg11[%multiple_of3A] : memref<100000xi32, #tpu.memory_space<hbm>> -> memref<800xi32, #tpu.memory_space<hbm>>
        %dma_start3A_110 = tpu.memref_slice %arg11[%multiple_of3A] : memref<100000xi32, #tpu.memory_space<hbm>> -> memref<800xi32, #tpu.memory_space<hbm>>
        %dma_start3A_111 = arith.constant 0 : i32
        %dma_start3A_112 = tpu.memref_slice %arg20[%dma_start3A_111] : memref<801xi32, #tpu.memory_space<vmem>> -> memref<800xi32, #tpu.memory_space<vmem>>
        tpu.enqueue_dma source(%dma_start3A_112 : memref<800xi32, #tpu.memory_space<vmem>>) target(%dma_start3A_110 : memref<800xi32, #tpu.memory_space<hbm>>) target_semaphore(%run_scoped3A : memref<!tpu.dma_semaphore, #tpu.memory_space<semaphore_mem>>)
        %dma_wait3A = arith.constant 0 : i32
        %dma_wait3A_113 = tpu.memref_slice %arg20[%dma_wait3A] : memref<801xi32, #tpu.memory_space<vmem>> -> memref<800xi32, #tpu.memory_space<vmem>>
        %dma_wait3A_114 = tpu.memref_slice %arg11[%multiple_of3A] : memref<100000xi32, #tpu.memory_space<hbm>> -> memref<800xi32, #tpu.memory_space<hbm>>
        %dma_wait3A_115 = tpu.memref_slice %arg11[%multiple_of3A] : memref<100000xi32, #tpu.memory_space<hbm>> -> memref<800xi32, #tpu.memory_space<hbm>>
        %dma_wait3A_116 = arith.constant 0 : i32
        %dma_wait3A_117 = tpu.memref_slice %arg20[%dma_wait3A_116] : memref<801xi32, #tpu.memory_space<vmem>> -> memref<800xi32, #tpu.memory_space<vmem>>
        tpu.wait_dma2 semaphore(%run_scoped3A : memref<!tpu.dma_semaphore, #tpu.memory_space<semaphore_mem>>) src(%dma_wait3A_117 : memref<800xi32, #tpu.memory_space<vmem>>) dst(%dma_wait3A_115 : memref<800xi32, #tpu.memory_space<hbm>>)
        tpu.yield
      }) : () -> ()
      "tpu.region"() ({
        %run_scoped3A = tpu.sem_alloc : memref<!tpu.dma_semaphore, #tpu.memory_space<semaphore_mem>>
        %dma_start3A = arith.constant 0 : i32
        %dma_start3A_108 = tpu.memref_slice %arg21[%dma_start3A] : memref<801xi32, #tpu.memory_space<vmem>> -> memref<800xi32, #tpu.memory_space<vmem>>
        %dma_start3A_109 = tpu.memref_slice %arg12[%multiple_of3A] : memref<100000xi32, #tpu.memory_space<hbm>> -> memref<800xi32, #tpu.memory_space<hbm>>
        %dma_start3A_110 = tpu.memref_slice %arg12[%multiple_of3A] : memref<100000xi32, #tpu.memory_space<hbm>> -> memref<800xi32, #tpu.memory_space<hbm>>
        %dma_start3A_111 = arith.constant 0 : i32
        %dma_start3A_112 = tpu.memref_slice %arg21[%dma_start3A_111] : memref<801xi32, #tpu.memory_space<vmem>> -> memref<800xi32, #tpu.memory_space<vmem>>
        tpu.enqueue_dma source(%dma_start3A_112 : memref<800xi32, #tpu.memory_space<vmem>>) target(%dma_start3A_110 : memref<800xi32, #tpu.memory_space<hbm>>) target_semaphore(%run_scoped3A : memref<!tpu.dma_semaphore, #tpu.memory_space<semaphore_mem>>)
        %dma_wait3A = arith.constant 0 : i32
        %dma_wait3A_113 = tpu.memref_slice %arg21[%dma_wait3A] : memref<801xi32, #tpu.memory_space<vmem>> -> memref<800xi32, #tpu.memory_space<vmem>>
        %dma_wait3A_114 = tpu.memref_slice %arg12[%multiple_of3A] : memref<100000xi32, #tpu.memory_space<hbm>> -> memref<800xi32, #tpu.memory_space<hbm>>
        %dma_wait3A_115 = tpu.memref_slice %arg12[%multiple_of3A] : memref<100000xi32, #tpu.memory_space<hbm>> -> memref<800xi32, #tpu.memory_space<hbm>>
        %dma_wait3A_116 = arith.constant 0 : i32
        %dma_wait3A_117 = tpu.memref_slice %arg21[%dma_wait3A_116] : memref<801xi32, #tpu.memory_space<vmem>> -> memref<800xi32, #tpu.memory_space<vmem>>
        tpu.wait_dma2 semaphore(%run_scoped3A : memref<!tpu.dma_semaphore, #tpu.memory_space<semaphore_mem>>) src(%dma_wait3A_117 : memref<800xi32, #tpu.memory_space<vmem>>) dst(%dma_wait3A_115 : memref<800xi32, #tpu.memory_space<hbm>>)
        tpu.yield
      }) : () -> ()
    }
    %scan3A_24 = arith.constant 4 : i32
    %scan3A_25 = arith.constant 0 : i32
    %scan3A_26 = arith.constant 0 : i32
    %scan3A_27 = arith.constant 200 : i32
    %scan3A_28 = arith.addi %scan3A_26, %scan3A_27 : i32
    %scan3A_29 = arith.constant 1 : i32
    %scan3A_30 = scf.for %scan3A_94 = %scan3A_26 to %scan3A_28 step %scan3A_29 iter_args(%scan3A_95 = %scan3A_25) -> (i32)  : i32 {
      %mul3A_96 = arith.constant 16 : i32
      %mul3A_97 = arith.muli %scan3A_94, %mul3A_96 : i32
      %get3A_98 = arith.index_cast %mul3A_97 : i32 to index
      %get3A_99 = tpu.vector_load %arg17[%get3A_98] {strides = array<i32>} : memref<3200xi32, #tpu.memory_space<vmem>>, vector<16xi32>,
      %ge3A_100 = arith.constant 0 : i32
      %ge3A_101 = vector.broadcast %ge3A_100 : i32 to vector<16xi32>
      %ge3A_102 = arith.cmpi sge, %get3A_99, %ge3A_101 : vector<16xi32>
      %mul3A_103 = arith.constant 16 : i32
      %mul3A_104 = arith.muli %scan3A_94, %mul3A_103 : i32
      %add3A_105 = arith.addi %mul3A_2, %mul3A_104 : i32
      %add3A_106 = vector.broadcast %add3A_105 : i32 to vector<16xi32>
      %add3A_107 = arith.addi %add3A_106, %iota3A : vector<16xi32>
      %swap3A = arith.index_cast %scan3A_95 : i32 to index
      %swap3A_108 = tpu.vector_load %arg18[%swap3A] masked %ge3A_102 {strides = array<i32>} : memref<3216xi32, #tpu.memory_space<vmem>>, vector<16xi32>, vector<16xi1>
      tpu.vector_store %arg18[%swap3A], %add3A_107 masked %ge3A_102 {strides = array<i32>} : memref<3216xi32, #tpu.memory_space<vmem>>, vector<16xi32>, vector<16xi1>
      %swap3A_109 = arith.index_cast %scan3A_95 : i32 to index
      %swap3A_110 = tpu.vector_load %arg19[%swap3A_109] masked %ge3A_102 {strides = array<i32>} : memref<3216xi32, #tpu.memory_space<vmem>>, vector<16xi32>, vector<16xi1>
      tpu.vector_store %arg19[%swap3A_109], %get3A_99 masked %ge3A_102 {strides = array<i32>} : memref<3216xi32, #tpu.memory_space<vmem>>, vector<16xi32>, vector<16xi1>
      %convert_element_type3A_111 = arith.extui %ge3A_102 : vector<16xi1> to vector<16xi32>
      %reduce_sum3A = arith.constant true
      %reduce_sum3A_112 = vector.broadcast %reduce_sum3A : i1 to vector<16xi1>
      %reduce_sum3A_113 = tpu.scan <sum>, %convert_element_type3A_111 masked %reduce_sum3A_112 : vector<16xi32>, vector<16xi1> -> vector<16xi32>
      %reduce_sum3A_114 = vector.extract %reduce_sum3A_113[15] : i32 from vector<16xi32>
      %add3A_115 = arith.addi %scan3A_95, %reduce_sum3A_114 : i32
      scf.yield %add3A_115 : i32
    }
    %scan3A_31 = arith.constant 200 : i32
    %add3A_32 = arith.constant 16 : i32
    %add3A_33 = arith.addi %scan3A_30, %add3A_32 : i32
    %sub3A = arith.constant 1 : i32
    %sub3A_34 = arith.subi %add3A_33, %sub3A : i32
    %jit3A = arith.constant 16 : i32
    %div3A = arith.divsi %sub3A_34, %jit3A : i32
    %sign3A = arith.constant 0 : i32
    %sign3A_35 = arith.cmpi sgt, %sub3A_34, %sign3A : i32
    %sign3A_36 = arith.extui %sign3A_35 : i1 to i32
    %sign3A_37 = arith.constant 0 : i32
    %sign3A_38 = arith.cmpi slt, %sub3A_34, %sign3A_37 : i32
    %sign3A_39 = arith.extui %sign3A_38 : i1 to i32
    %sign3A_40 = arith.subi %sign3A_36, %sign3A_39 : i32
    %sign3A_41 = arith.constant 0 : i32
    %sign3A_42 = arith.cmpi sgt, %jit3A, %sign3A_41 : i32
    %sign3A_43 = arith.extui %sign3A_42 : i1 to i32
    %sign3A_44 = arith.constant 0 : i32
    %sign3A_45 = arith.cmpi slt, %jit3A, %sign3A_44 : i32
    %sign3A_46 = arith.extui %sign3A_45 : i1 to i32
    %sign3A_47 = arith.subi %sign3A_43, %sign3A_46 : i32
    %ne3A = arith.cmpi ne, %sign3A_40, %sign3A_47 : i32
    %rem3A = arith.remsi %sub3A_34, %jit3A : i32
    %ne3A_48 = arith.constant 0 : i32
    %ne3A_49 = arith.cmpi ne, %rem3A, %ne3A_48 : i32
    %and3A = arith.andi %ne3A, %ne3A_49 : i1
    %sub3A_50 = arith.constant 1 : i32
    %sub3A_51 = arith.subi %div3A, %sub3A_50 : i32
    %select_n3A = arith.select %and3A, %sub3A_51, %div3A : i32
    %add3A_52 = arith.constant 1 : i32
    %add3A_53 = arith.addi %select_n3A, %add3A_52 : i32
    %jit3A_54 = arith.constant 2 : i32
    %div3A_55 = arith.divsi %add3A_53, %jit3A_54 : i32
    %sign3A_56 = arith.constant 0 : i32
    %sign3A_57 = arith.cmpi sgt, %add3A_53, %sign3A_56 : i32
    %sign3A_58 = arith.extui %sign3A_57 : i1 to i32
    %sign3A_59 = arith.constant 0 : i32
    %sign3A_60 = arith.cmpi slt, %add3A_53, %sign3A_59 : i32
    %sign3A_61 = arith.extui %sign3A_60 : i1 to i32
    %sign3A_62 = arith.subi %sign3A_58, %sign3A_61 : i32
    %sign3A_63 = arith.constant 0 : i32
    %sign3A_64 = arith.cmpi sgt, %jit3A_54, %sign3A_63 : i32
    %sign3A_65 = arith.extui %sign3A_64 : i1 to i32
    %sign3A_66 = arith.constant 0 : i32
    %sign3A_67 = arith.cmpi slt, %jit3A_54, %sign3A_66 : i32
    %sign3A_68 = arith.extui %sign3A_67 : i1 to i32
    %sign3A_69 = arith.subi %sign3A_65, %sign3A_68 : i32
    %ne3A_70 = arith.cmpi ne, %sign3A_62, %sign3A_69 : i32
    %rem3A_71 = arith.remsi %add3A_53, %jit3A_54 : i32
    %ne3A_72 = arith.constant 0 : i32
    %ne3A_73 = arith.cmpi ne, %rem3A_71, %ne3A_72 : i32
    %and3A_74 = arith.andi %ne3A_70, %ne3A_73 : i1
    %sub3A_75 = arith.constant 1 : i32
    %sub3A_76 = arith.subi %div3A_55, %sub3A_75 : i32
    %select_n3A_77 = arith.select %and3A_74, %sub3A_76, %div3A_55 : i32
    %while3A = arith.constant 0 : i32
    %while3A_78 = arith.constant 0 : i32
    %while3A_79 = arith.subi %select_n3A_77, %while3A_78 : i32
    %while3A_80 = arith.addi %while3A_78, %while3A_79 : i32
    %while3A_81 = arith.constant 1 : i32
    %while3A_82 = arith.divsi %while3A_79, %while3A_81 : i32
    %while3A_83 = arith.muli %while3A_82, %while3A_81 : i32
    %while3A_84 = arith.addi %while3A_78, %while3A_83 : i32
    %while3A_85 = arith.constant 1 : i32
    scf.for %while3A_94 = %while3A_78 to %while3A_84 step %while3A_85  : i32 {
      %mul3A_95 = arith.constant 2 : i32
      %mul3A_96 = arith.muli %while3A_94, %mul3A_95 : i32
      %add3A_97 = arith.constant 0 : i32
      %add3A_98 = arith.addi %mul3A_96, %add3A_97 : i32
      %lt3A = arith.cmpi slt, %add3A_98, %select_n3A : i32
      %convert_element_type3A_99 = arith.extui %lt3A : i1 to i32
      %cond3A_100 = arith.constant 0 : i32
      %cond3A_101 = arith.cmpi ne, %convert_element_type3A_99, %cond3A_100 : i32
      scf.if %cond3A_101 {
        %mul3A_110 = arith.constant 16 : i32
        %mul3A_111 = arith.muli %add3A_98, %mul3A_110 : i32
        %multiple_of3A = tpu.assume_multiple %mul3A_111, 8 : i32
        %mul3A_112 = arith.constant 16 : i32
        %mul3A_113 = arith.muli %add3A_98, %mul3A_112 : i32
        %sub3A_114 = arith.subi %scan3A_30, %mul3A_113 : i32
        %get3A_115 = arith.index_cast %multiple_of3A : i32 to index
        %get3A_116 = tpu.vector_load %arg18[%get3A_115] {strides = array<i32>} : memref<3216xi32, #tpu.memory_space<vmem>>, vector<16xi32>,
        %get3A_117 = arith.index_cast %multiple_of3A : i32 to index
        %get3A_118 = tpu.vector_load %arg19[%get3A_117] {strides = array<i32>} : memref<3216xi32, #tpu.memory_space<vmem>>, vector<16xi32>,
        %lt3A_119 = vector.broadcast %sub3A_114 : i32 to vector<16xi32>
        %lt3A_120 = arith.cmpi slt, %iota3A, %lt3A_119 : vector<16xi32>
        %slice3A = vector.extract_strided_slice %get3A_116 {offsets = [0], sizes = [1], strides = [1]} : vector<16xi32> to vector<1xi32>
        %squeeze3A = vector.extract %slice3A[0] : i32 from vector<1xi32>
        %broadcast_in_dim3A_121 = vector.broadcast %squeeze3A : i32 to vector<16xi32>
        %select_n3A_122 = arith.select %lt3A_120, %get3A_116, %broadcast_in_dim3A_121 : vector<16xi1>, vector<16xi32>
        %slice3A_123 = vector.extract_strided_slice %get3A_118 {offsets = [0], sizes = [1], strides = [1]} : vector<16xi32> to vector<1xi32>
        %squeeze3A_124 = vector.extract %slice3A_123[0] : i32 from vector<1xi32>
        %broadcast_in_dim3A_125 = vector.broadcast %squeeze3A_124 : i32 to vector<16xi32>
        %select_n3A_126 = arith.select %lt3A_120, %get3A_118, %broadcast_in_dim3A_125 : vector<16xi1>, vector<16xi32>
        %ge3A_127 = arith.constant 2 : i32
        %ge3A_128 = arith.cmpi sge, %add3A_98, %ge3A_127 : i32
        %convert_element_type3A_129 = arith.extui %ge3A_128 : i1 to i32
        %cond3A_130 = arith.constant 0 : i32
        %cond3A_131 = arith.cmpi ne, %convert_element_type3A_129, %cond3A_130 : i32
        scf.if %cond3A_131 {
          %dma_wait3A_148 = arith.constant 0 : i32
          %dma_wait3A_149 = arith.constant 0 : i32
          %dma_wait3A_150 = tpu.memref_slice %arg2[%dma_wait3A_148, %dma_wait3A_149] : memref<100000x128xf32, #tpu.memory_space<hbm>> -> memref<100000x128xf32, #tpu.memory_space<hbm>>
          tpu.wait_indirect_dma semaphore(%arg29 : memref<!tpu.dma_semaphore, #tpu.memory_space<semaphore_mem>>) src(%arg22 : memref<16x128xf32, #tpu.memory_space<vmem>>) dst(%dma_wait3A_150 : memref<100000x128xf32, #tpu.memory_space<hbm>>)
          %dma_wait3A_151 = arith.constant 0 : i32
          %dma_wait3A_152 = arith.constant 0 : i32
          %dma_wait3A_153 = tpu.memref_slice %arg3[%dma_wait3A_151, %dma_wait3A_152] : memref<100000x128xf32, #tpu.memory_space<hbm>> -> memref<100000x128xf32, #tpu.memory_space<hbm>>
          tpu.wait_indirect_dma semaphore(%arg29 : memref<!tpu.dma_semaphore, #tpu.memory_space<semaphore_mem>>) src(%arg24 : memref<16x128xf32, #tpu.memory_space<vmem>>) dst(%dma_wait3A_153 : memref<100000x128xf32, #tpu.memory_space<hbm>>)
        } else {
        }
        %dma_start3A = arith.constant 0 : i32
        %dma_start3A_132 = arith.constant 0 : i32
        %dma_start3A_133 = tpu.memref_slice %arg6[%dma_start3A, %dma_start3A_132] : memref<16384x128xf32, #tpu.memory_space<hbm>> -> memref<16384x128xf32, #tpu.memory_space<hbm>>
        tpu.enqueue_indirect_dma source(%dma_start3A_133 : memref<16384x128xf32, #tpu.memory_space<hbm>>) target(%arg22 : memref<16x128xf32, #tpu.memory_space<vmem>>) offsets(%select_n3A_126 : vector<16xi32>) semaphore(%arg27 : memref<!tpu.dma_semaphore, #tpu.memory_space<semaphore_mem>>)
        %dma_start3A_134 = arith.constant 0 : i32
        %dma_start3A_135 = arith.constant 0 : i32
        %dma_start3A_136 = tpu.memref_slice %arg7[%dma_start3A_134, %dma_start3A_135] : memref<16384x128xf32, #tpu.memory_space<hbm>> -> memref<16384x128xf32, #tpu.memory_space<hbm>>
        tpu.enqueue_indirect_dma source(%dma_start3A_136 : memref<16384x128xf32, #tpu.memory_space<hbm>>) target(%arg24 : memref<16x128xf32, #tpu.memory_space<vmem>>) offsets(%select_n3A_126 : vector<16xi32>) semaphore(%arg27 : memref<!tpu.dma_semaphore, #tpu.memory_space<semaphore_mem>>)
        %dma_wait3A = arith.constant 0 : i32
        %dma_wait3A_137 = arith.constant 0 : i32
        %dma_wait3A_138 = tpu.memref_slice %arg6[%dma_wait3A, %dma_wait3A_137] : memref<16384x128xf32, #tpu.memory_space<hbm>> -> memref<16384x128xf32, #tpu.memory_space<hbm>>
        tpu.wait_indirect_dma semaphore(%arg27 : memref<!tpu.dma_semaphore, #tpu.memory_space<semaphore_mem>>) src(%dma_wait3A_138 : memref<16384x128xf32, #tpu.memory_space<hbm>>) dst(%arg22 : memref<16x128xf32, #tpu.memory_space<vmem>>)
        %dma_wait3A_139 = arith.constant 0 : i32
        %dma_wait3A_140 = arith.constant 0 : i32
        %dma_wait3A_141 = tpu.memref_slice %arg7[%dma_wait3A_139, %dma_wait3A_140] : memref<16384x128xf32, #tpu.memory_space<hbm>> -> memref<16384x128xf32, #tpu.memory_space<hbm>>
        tpu.wait_indirect_dma semaphore(%arg27 : memref<!tpu.dma_semaphore, #tpu.memory_space<semaphore_mem>>) src(%dma_wait3A_141 : memref<16384x128xf32, #tpu.memory_space<hbm>>) dst(%arg24 : memref<16x128xf32, #tpu.memory_space<vmem>>)
        %dma_start3A_142 = arith.constant 0 : i32
        %dma_start3A_143 = arith.constant 0 : i32
        %dma_start3A_144 = tpu.memref_slice %arg2[%dma_start3A_142, %dma_start3A_143] : memref<100000x128xf32, #tpu.memory_space<hbm>> -> memref<100000x128xf32, #tpu.memory_space<hbm>>
        tpu.enqueue_indirect_dma source(%arg22 : memref<16x128xf32, #tpu.memory_space<vmem>>) target(%dma_start3A_144 : memref<100000x128xf32, #tpu.memory_space<hbm>>) offsets(%select_n3A_122 : vector<16xi32>) semaphore(%arg29 : memref<!tpu.dma_semaphore, #tpu.memory_space<semaphore_mem>>)
        %dma_start3A_145 = arith.constant 0 : i32
        %dma_start3A_146 = arith.constant 0 : i32
        %dma_start3A_147 = tpu.memref_slice %arg3[%dma_start3A_145, %dma_start3A_146] : memref<100000x128xf32, #tpu.memory_space<hbm>> -> memref<100000x128xf32, #tpu.memory_space<hbm>>
        tpu.enqueue_indirect_dma source(%arg24 : memref<16x128xf32, #tpu.memory_space<vmem>>) target(%dma_start3A_147 : memref<100000x128xf32, #tpu.memory_space<hbm>>) offsets(%select_n3A_122 : vector<16xi32>) semaphore(%arg29 : memref<!tpu.dma_semaphore, #tpu.memory_space<semaphore_mem>>)
      } else {
      }
      %mul3A_102 = arith.constant 2 : i32
      %mul3A_103 = arith.muli %while3A_94, %mul3A_102 : i32
      %add3A_104 = arith.constant 1 : i32
      %add3A_105 = arith.addi %mul3A_103, %add3A_104 : i32
      %lt3A_106 = arith.cmpi slt, %add3A_105, %select_n3A : i32
      %convert_element_type3A_107 = arith.extui %lt3A_106 : i1 to i32
      %cond3A_108 = arith.constant 0 : i32
      %cond3A_109 = arith.cmpi ne, %convert_element_type3A_107, %cond3A_108 : i32
      scf.if %cond3A_109 {
        %mul3A_110 = arith.constant 16 : i32
        %mul3A_111 = arith.muli %add3A_105, %mul3A_110 : i32
        %multiple_of3A = tpu.assume_multiple %mul3A_111, 8 : i32
        %mul3A_112 = arith.constant 16 : i32
        %mul3A_113 = arith.muli %add3A_105, %mul3A_112 : i32
        %sub3A_114 = arith.subi %scan3A_30, %mul3A_113 : i32
        %get3A_115 = arith.index_cast %multiple_of3A : i32 to index
        %get3A_116 = tpu.vector_load %arg18[%get3A_115] {strides = array<i32>} : memref<3216xi32, #tpu.memory_space<vmem>>, vector<16xi32>,
        %get3A_117 = arith.index_cast %multiple_of3A : i32 to index
        %get3A_118 = tpu.vector_load %arg19[%get3A_117] {strides = array<i32>} : memref<3216xi32, #tpu.memory_space<vmem>>, vector<16xi32>,
        %lt3A_119 = vector.broadcast %sub3A_114 : i32 to vector<16xi32>
        %lt3A_120 = arith.cmpi slt, %iota3A, %lt3A_119 : vector<16xi32>
        %slice3A = vector.extract_strided_slice %get3A_116 {offsets = [0], sizes = [1], strides = [1]} : vector<16xi32> to vector<1xi32>
        %squeeze3A = vector.extract %slice3A[0] : i32 from vector<1xi32>
        %broadcast_in_dim3A_121 = vector.broadcast %squeeze3A : i32 to vector<16xi32>
        %select_n3A_122 = arith.select %lt3A_120, %get3A_116, %broadcast_in_dim3A_121 : vector<16xi1>, vector<16xi32>
        %slice3A_123 = vector.extract_strided_slice %get3A_118 {offsets = [0], sizes = [1], strides = [1]} : vector<16xi32> to vector<1xi32>
        %squeeze3A_124 = vector.extract %slice3A_123[0] : i32 from vector<1xi32>
        %broadcast_in_dim3A_125 = vector.broadcast %squeeze3A_124 : i32 to vector<16xi32>
        %select_n3A_126 = arith.select %lt3A_120, %get3A_118, %broadcast_in_dim3A_125 : vector<16xi1>, vector<16xi32>
        %ge3A_127 = arith.constant 2 : i32
        %ge3A_128 = arith.cmpi sge, %add3A_105, %ge3A_127 : i32
        %convert_element_type3A_129 = arith.extui %ge3A_128 : i1 to i32
        %cond3A_130 = arith.constant 0 : i32
        %cond3A_131 = arith.cmpi ne, %convert_element_type3A_129, %cond3A_130 : i32
        scf.if %cond3A_131 {
          %dma_wait3A_148 = arith.constant 0 : i32
          %dma_wait3A_149 = arith.constant 0 : i32
          %dma_wait3A_150 = tpu.memref_slice %arg2[%dma_wait3A_148, %dma_wait3A_149] : memref<100000x128xf32, #tpu.memory_space<hbm>> -> memref<100000x128xf32, #tpu.memory_space<hbm>>
          tpu.wait_indirect_dma semaphore(%arg30 : memref<!tpu.dma_semaphore, #tpu.memory_space<semaphore_mem>>) src(%arg23 : memref<16x128xf32, #tpu.memory_space<vmem>>) dst(%dma_wait3A_150 : memref<100000x128xf32, #tpu.memory_space<hbm>>)
          %dma_wait3A_151 = arith.constant 0 : i32
          %dma_wait3A_152 = arith.constant 0 : i32
          %dma_wait3A_153 = tpu.memref_slice %arg3[%dma_wait3A_151, %dma_wait3A_152] : memref<100000x128xf32, #tpu.memory_space<hbm>> -> memref<100000x128xf32, #tpu.memory_space<hbm>>
          tpu.wait_indirect_dma semaphore(%arg30 : memref<!tpu.dma_semaphore, #tpu.memory_space<semaphore_mem>>) src(%arg25 : memref<16x128xf32, #tpu.memory_space<vmem>>) dst(%dma_wait3A_153 : memref<100000x128xf32, #tpu.memory_space<hbm>>)
        } else {
        }
        %dma_start3A = arith.constant 0 : i32
        %dma_start3A_132 = arith.constant 0 : i32
        %dma_start3A_133 = tpu.memref_slice %arg6[%dma_start3A, %dma_start3A_132] : memref<16384x128xf32, #tpu.memory_space<hbm>> -> memref<16384x128xf32, #tpu.memory_space<hbm>>
        tpu.enqueue_indirect_dma source(%dma_start3A_133 : memref<16384x128xf32, #tpu.memory_space<hbm>>) target(%arg23 : memref<16x128xf32, #tpu.memory_space<vmem>>) offsets(%select_n3A_126 : vector<16xi32>) semaphore(%arg28 : memref<!tpu.dma_semaphore, #tpu.memory_space<semaphore_mem>>)
        %dma_start3A_134 = arith.constant 0 : i32
        %dma_start3A_135 = arith.constant 0 : i32
        %dma_start3A_136 = tpu.memref_slice %arg7[%dma_start3A_134, %dma_start3A_135] : memref<16384x128xf32, #tpu.memory_space<hbm>> -> memref<16384x128xf32, #tpu.memory_space<hbm>>
        tpu.enqueue_indirect_dma source(%dma_start3A_136 : memref<16384x128xf32, #tpu.memory_space<hbm>>) target(%arg25 : memref<16x128xf32, #tpu.memory_space<vmem>>) offsets(%select_n3A_126 : vector<16xi32>) semaphore(%arg28 : memref<!tpu.dma_semaphore, #tpu.memory_space<semaphore_mem>>)
        %dma_wait3A = arith.constant 0 : i32
        %dma_wait3A_137 = arith.constant 0 : i32
        %dma_wait3A_138 = tpu.memref_slice %arg6[%dma_wait3A, %dma_wait3A_137] : memref<16384x128xf32, #tpu.memory_space<hbm>> -> memref<16384x128xf32, #tpu.memory_space<hbm>>
        tpu.wait_indirect_dma semaphore(%arg28 : memref<!tpu.dma_semaphore, #tpu.memory_space<semaphore_mem>>) src(%dma_wait3A_138 : memref<16384x128xf32, #tpu.memory_space<hbm>>) dst(%arg23 : memref<16x128xf32, #tpu.memory_space<vmem>>)
        %dma_wait3A_139 = arith.constant 0 : i32
        %dma_wait3A_140 = arith.constant 0 : i32
        %dma_wait3A_141 = tpu.memref_slice %arg7[%dma_wait3A_139, %dma_wait3A_140] : memref<16384x128xf32, #tpu.memory_space<hbm>> -> memref<16384x128xf32, #tpu.memory_space<hbm>>
        tpu.wait_indirect_dma semaphore(%arg28 : memref<!tpu.dma_semaphore, #tpu.memory_space<semaphore_mem>>) src(%dma_wait3A_141 : memref<16384x128xf32, #tpu.memory_space<hbm>>) dst(%arg25 : memref<16x128xf32, #tpu.memory_space<vmem>>)
        %dma_start3A_142 = arith.constant 0 : i32
        %dma_start3A_143 = arith.constant 0 : i32
        %dma_start3A_144 = tpu.memref_slice %arg2[%dma_start3A_142, %dma_start3A_143] : memref<100000x128xf32, #tpu.memory_space<hbm>> -> memref<100000x128xf32, #tpu.memory_space<hbm>>
        tpu.enqueue_indirect_dma source(%arg23 : memref<16x128xf32, #tpu.memory_space<vmem>>) target(%dma_start3A_144 : memref<100000x128xf32, #tpu.memory_space<hbm>>) offsets(%select_n3A_122 : vector<16xi32>) semaphore(%arg30 : memref<!tpu.dma_semaphore, #tpu.memory_space<semaphore_mem>>)
        %dma_start3A_145 = arith.constant 0 : i32
        %dma_start3A_146 = arith.constant 0 : i32
        %dma_start3A_147 = tpu.memref_slice %arg3[%dma_start3A_145, %dma_start3A_146] : memref<100000x128xf32, #tpu.memory_space<hbm>> -> memref<100000x128xf32, #tpu.memory_space<hbm>>
        tpu.enqueue_indirect_dma source(%arg25 : memref<16x128xf32, #tpu.memory_space<vmem>>) target(%dma_start3A_147 : memref<100000x128xf32, #tpu.memory_space<hbm>>) offsets(%select_n3A_122 : vector<16xi32>) semaphore(%arg30 : memref<!tpu.dma_semaphore, #tpu.memory_space<semaphore_mem>>)
      } else {
      }
    }
    %while3A_86 = arith.constant 1 : i32
    scf.for %while3A_94 = %while3A_84 to %while3A_80 step %while3A_86  : i32 {
      %mul3A_95 = arith.constant 2 : i32
      %mul3A_96 = arith.muli %while3A_94, %mul3A_95 : i32
      %add3A_97 = arith.constant 0 : i32
      %add3A_98 = arith.addi %mul3A_96, %add3A_97 : i32
      %lt3A = arith.cmpi slt, %add3A_98, %select_n3A : i32
      %convert_element_type3A_99 = arith.extui %lt3A : i1 to i32
      %cond3A_100 = arith.constant 0 : i32
      %cond3A_101 = arith.cmpi ne, %convert_element_type3A_99, %cond3A_100 : i32
      scf.if %cond3A_101 {
        %mul3A_110 = arith.constant 16 : i32
        %mul3A_111 = arith.muli %add3A_98, %mul3A_110 : i32
        %multiple_of3A = tpu.assume_multiple %mul3A_111, 8 : i32
        %mul3A_112 = arith.constant 16 : i32
        %mul3A_113 = arith.muli %add3A_98, %mul3A_112 : i32
        %sub3A_114 = arith.subi %scan3A_30, %mul3A_113 : i32
        %get3A_115 = arith.index_cast %multiple_of3A : i32 to index
        %get3A_116 = tpu.vector_load %arg18[%get3A_115] {strides = array<i32>} : memref<3216xi32, #tpu.memory_space<vmem>>, vector<16xi32>,
        %get3A_117 = arith.index_cast %multiple_of3A : i32 to index
        %get3A_118 = tpu.vector_load %arg19[%get3A_117] {strides = array<i32>} : memref<3216xi32, #tpu.memory_space<vmem>>, vector<16xi32>,
        %lt3A_119 = vector.broadcast %sub3A_114 : i32 to vector<16xi32>
        %lt3A_120 = arith.cmpi slt, %iota3A, %lt3A_119 : vector<16xi32>
        %slice3A = vector.extract_strided_slice %get3A_116 {offsets = [0], sizes = [1], strides = [1]} : vector<16xi32> to vector<1xi32>
        %squeeze3A = vector.extract %slice3A[0] : i32 from vector<1xi32>
        %broadcast_in_dim3A_121 = vector.broadcast %squeeze3A : i32 to vector<16xi32>
        %select_n3A_122 = arith.select %lt3A_120, %get3A_116, %broadcast_in_dim3A_121 : vector<16xi1>, vector<16xi32>
        %slice3A_123 = vector.extract_strided_slice %get3A_118 {offsets = [0], sizes = [1], strides = [1]} : vector<16xi32> to vector<1xi32>
        %squeeze3A_124 = vector.extract %slice3A_123[0] : i32 from vector<1xi32>
        %broadcast_in_dim3A_125 = vector.broadcast %squeeze3A_124 : i32 to vector<16xi32>
        %select_n3A_126 = arith.select %lt3A_120, %get3A_118, %broadcast_in_dim3A_125 : vector<16xi1>, vector<16xi32>
        %ge3A_127 = arith.constant 2 : i32
        %ge3A_128 = arith.cmpi sge, %add3A_98, %ge3A_127 : i32
        %convert_element_type3A_129 = arith.extui %ge3A_128 : i1 to i32
        %cond3A_130 = arith.constant 0 : i32
        %cond3A_131 = arith.cmpi ne, %convert_element_type3A_129, %cond3A_130 : i32
        scf.if %cond3A_131 {
          %dma_wait3A_148 = arith.constant 0 : i32
          %dma_wait3A_149 = arith.constant 0 : i32
          %dma_wait3A_150 = tpu.memref_slice %arg2[%dma_wait3A_148, %dma_wait3A_149] : memref<100000x128xf32, #tpu.memory_space<hbm>> -> memref<100000x128xf32, #tpu.memory_space<hbm>>
          tpu.wait_indirect_dma semaphore(%arg29 : memref<!tpu.dma_semaphore, #tpu.memory_space<semaphore_mem>>) src(%arg22 : memref<16x128xf32, #tpu.memory_space<vmem>>) dst(%dma_wait3A_150 : memref<100000x128xf32, #tpu.memory_space<hbm>>)
          %dma_wait3A_151 = arith.constant 0 : i32
          %dma_wait3A_152 = arith.constant 0 : i32
          %dma_wait3A_153 = tpu.memref_slice %arg3[%dma_wait3A_151, %dma_wait3A_152] : memref<100000x128xf32, #tpu.memory_space<hbm>> -> memref<100000x128xf32, #tpu.memory_space<hbm>>
          tpu.wait_indirect_dma semaphore(%arg29 : memref<!tpu.dma_semaphore, #tpu.memory_space<semaphore_mem>>) src(%arg24 : memref<16x128xf32, #tpu.memory_space<vmem>>) dst(%dma_wait3A_153 : memref<100000x128xf32, #tpu.memory_space<hbm>>)
        } else {
        }
        %dma_start3A = arith.constant 0 : i32
        %dma_start3A_132 = arith.constant 0 : i32
        %dma_start3A_133 = tpu.memref_slice %arg6[%dma_start3A, %dma_start3A_132] : memref<16384x128xf32, #tpu.memory_space<hbm>> -> memref<16384x128xf32, #tpu.memory_space<hbm>>
        tpu.enqueue_indirect_dma source(%dma_start3A_133 : memref<16384x128xf32, #tpu.memory_space<hbm>>) target(%arg22 : memref<16x128xf32, #tpu.memory_space<vmem>>) offsets(%select_n3A_126 : vector<16xi32>) semaphore(%arg27 : memref<!tpu.dma_semaphore, #tpu.memory_space<semaphore_mem>>)
        %dma_start3A_134 = arith.constant 0 : i32
        %dma_start3A_135 = arith.constant 0 : i32
        %dma_start3A_136 = tpu.memref_slice %arg7[%dma_start3A_134, %dma_start3A_135] : memref<16384x128xf32, #tpu.memory_space<hbm>> -> memref<16384x128xf32, #tpu.memory_space<hbm>>
        tpu.enqueue_indirect_dma source(%dma_start3A_136 : memref<16384x128xf32, #tpu.memory_space<hbm>>) target(%arg24 : memref<16x128xf32, #tpu.memory_space<vmem>>) offsets(%select_n3A_126 : vector<16xi32>) semaphore(%arg27 : memref<!tpu.dma_semaphore, #tpu.memory_space<semaphore_mem>>)
        %dma_wait3A = arith.constant 0 : i32
        %dma_wait3A_137 = arith.constant 0 : i32
        %dma_wait3A_138 = tpu.memref_slice %arg6[%dma_wait3A, %dma_wait3A_137] : memref<16384x128xf32, #tpu.memory_space<hbm>> -> memref<16384x128xf32, #tpu.memory_space<hbm>>
        tpu.wait_indirect_dma semaphore(%arg27 : memref<!tpu.dma_semaphore, #tpu.memory_space<semaphore_mem>>) src(%dma_wait3A_138 : memref<16384x128xf32, #tpu.memory_space<hbm>>) dst(%arg22 : memref<16x128xf32, #tpu.memory_space<vmem>>)
        %dma_wait3A_139 = arith.constant 0 : i32
        %dma_wait3A_140 = arith.constant 0 : i32
        %dma_wait3A_141 = tpu.memref_slice %arg7[%dma_wait3A_139, %dma_wait3A_140] : memref<16384x128xf32, #tpu.memory_space<hbm>> -> memref<16384x128xf32, #tpu.memory_space<hbm>>
        tpu.wait_indirect_dma semaphore(%arg27 : memref<!tpu.dma_semaphore, #tpu.memory_space<semaphore_mem>>) src(%dma_wait3A_141 : memref<16384x128xf32, #tpu.memory_space<hbm>>) dst(%arg24 : memref<16x128xf32, #tpu.memory_space<vmem>>)
        %dma_start3A_142 = arith.constant 0 : i32
        %dma_start3A_143 = arith.constant 0 : i32
        %dma_start3A_144 = tpu.memref_slice %arg2[%dma_start3A_142, %dma_start3A_143] : memref<100000x128xf32, #tpu.memory_space<hbm>> -> memref<100000x128xf32, #tpu.memory_space<hbm>>
        tpu.enqueue_indirect_dma source(%arg22 : memref<16x128xf32, #tpu.memory_space<vmem>>) target(%dma_start3A_144 : memref<100000x128xf32, #tpu.memory_space<hbm>>) offsets(%select_n3A_122 : vector<16xi32>) semaphore(%arg29 : memref<!tpu.dma_semaphore, #tpu.memory_space<semaphore_mem>>)
        %dma_start3A_145 = arith.constant 0 : i32
        %dma_start3A_146 = arith.constant 0 : i32
        %dma_start3A_147 = tpu.memref_slice %arg3[%dma_start3A_145, %dma_start3A_146] : memref<100000x128xf32, #tpu.memory_space<hbm>> -> memref<100000x128xf32, #tpu.memory_space<hbm>>
        tpu.enqueue_indirect_dma source(%arg24 : memref<16x128xf32, #tpu.memory_space<vmem>>) target(%dma_start3A_147 : memref<100000x128xf32, #tpu.memory_space<hbm>>) offsets(%select_n3A_122 : vector<16xi32>) semaphore(%arg29 : memref<!tpu.dma_semaphore, #tpu.memory_space<semaphore_mem>>)
      } else {
      }
      %mul3A_102 = arith.constant 2 : i32
      %mul3A_103 = arith.muli %while3A_94, %mul3A_102 : i32
      %add3A_104 = arith.constant 1 : i32
      %add3A_105 = arith.addi %mul3A_103, %add3A_104 : i32
      %lt3A_106 = arith.cmpi slt, %add3A_105, %select_n3A : i32
      %convert_element_type3A_107 = arith.extui %lt3A_106 : i1 to i32
      %cond3A_108 = arith.constant 0 : i32
      %cond3A_109 = arith.cmpi ne, %convert_element_type3A_107, %cond3A_108 : i32
      scf.if %cond3A_109 {
        %mul3A_110 = arith.constant 16 : i32
        %mul3A_111 = arith.muli %add3A_105, %mul3A_110 : i32
        %multiple_of3A = tpu.assume_multiple %mul3A_111, 8 : i32
        %mul3A_112 = arith.constant 16 : i32
        %mul3A_113 = arith.muli %add3A_105, %mul3A_112 : i32
        %sub3A_114 = arith.subi %scan3A_30, %mul3A_113 : i32
        %get3A_115 = arith.index_cast %multiple_of3A : i32 to index
        %get3A_116 = tpu.vector_load %arg18[%get3A_115] {strides = array<i32>} : memref<3216xi32, #tpu.memory_space<vmem>>, vector<16xi32>,
        %get3A_117 = arith.index_cast %multiple_of3A : i32 to index
        %get3A_118 = tpu.vector_load %arg19[%get3A_117] {strides = array<i32>} : memref<3216xi32, #tpu.memory_space<vmem>>, vector<16xi32>,
        %lt3A_119 = vector.broadcast %sub3A_114 : i32 to vector<16xi32>
        %lt3A_120 = arith.cmpi slt, %iota3A, %lt3A_119 : vector<16xi32>
        %slice3A = vector.extract_strided_slice %get3A_116 {offsets = [0], sizes = [1], strides = [1]} : vector<16xi32> to vector<1xi32>
        %squeeze3A = vector.extract %slice3A[0] : i32 from vector<1xi32>
        %broadcast_in_dim3A_121 = vector.broadcast %squeeze3A : i32 to vector<16xi32>
        %select_n3A_122 = arith.select %lt3A_120, %get3A_116, %broadcast_in_dim3A_121 : vector<16xi1>, vector<16xi32>
        %slice3A_123 = vector.extract_strided_slice %get3A_118 {offsets = [0], sizes = [1], strides = [1]} : vector<16xi32> to vector<1xi32>
        %squeeze3A_124 = vector.extract %slice3A_123[0] : i32 from vector<1xi32>
        %broadcast_in_dim3A_125 = vector.broadcast %squeeze3A_124 : i32 to vector<16xi32>
        %select_n3A_126 = arith.select %lt3A_120, %get3A_118, %broadcast_in_dim3A_125 : vector<16xi1>, vector<16xi32>
        %ge3A_127 = arith.constant 2 : i32
        %ge3A_128 = arith.cmpi sge, %add3A_105, %ge3A_127 : i32
        %convert_element_type3A_129 = arith.extui %ge3A_128 : i1 to i32
        %cond3A_130 = arith.constant 0 : i32
        %cond3A_131 = arith.cmpi ne, %convert_element_type3A_129, %cond3A_130 : i32
        scf.if %cond3A_131 {
          %dma_wait3A_148 = arith.constant 0 : i32
          %dma_wait3A_149 = arith.constant 0 : i32
          %dma_wait3A_150 = tpu.memref_slice %arg2[%dma_wait3A_148, %dma_wait3A_149] : memref<100000x128xf32, #tpu.memory_space<hbm>> -> memref<100000x128xf32, #tpu.memory_space<hbm>>
          tpu.wait_indirect_dma semaphore(%arg30 : memref<!tpu.dma_semaphore, #tpu.memory_space<semaphore_mem>>) src(%arg23 : memref<16x128xf32, #tpu.memory_space<vmem>>) dst(%dma_wait3A_150 : memref<100000x128xf32, #tpu.memory_space<hbm>>)
          %dma_wait3A_151 = arith.constant 0 : i32
          %dma_wait3A_152 = arith.constant 0 : i32
          %dma_wait3A_153 = tpu.memref_slice %arg3[%dma_wait3A_151, %dma_wait3A_152] : memref<100000x128xf32, #tpu.memory_space<hbm>> -> memref<100000x128xf32, #tpu.memory_space<hbm>>
          tpu.wait_indirect_dma semaphore(%arg30 : memref<!tpu.dma_semaphore, #tpu.memory_space<semaphore_mem>>) src(%arg25 : memref<16x128xf32, #tpu.memory_space<vmem>>) dst(%dma_wait3A_153 : memref<100000x128xf32, #tpu.memory_space<hbm>>)
        } else {
        }
        %dma_start3A = arith.constant 0 : i32
        %dma_start3A_132 = arith.constant 0 : i32
        %dma_start3A_133 = tpu.memref_slice %arg6[%dma_start3A, %dma_start3A_132] : memref<16384x128xf32, #tpu.memory_space<hbm>> -> memref<16384x128xf32, #tpu.memory_space<hbm>>
        tpu.enqueue_indirect_dma source(%dma_start3A_133 : memref<16384x128xf32, #tpu.memory_space<hbm>>) target(%arg23 : memref<16x128xf32, #tpu.memory_space<vmem>>) offsets(%select_n3A_126 : vector<16xi32>) semaphore(%arg28 : memref<!tpu.dma_semaphore, #tpu.memory_space<semaphore_mem>>)
        %dma_start3A_134 = arith.constant 0 : i32
        %dma_start3A_135 = arith.constant 0 : i32
        %dma_start3A_136 = tpu.memref_slice %arg7[%dma_start3A_134, %dma_start3A_135] : memref<16384x128xf32, #tpu.memory_space<hbm>> -> memref<16384x128xf32, #tpu.memory_space<hbm>>
        tpu.enqueue_indirect_dma source(%dma_start3A_136 : memref<16384x128xf32, #tpu.memory_space<hbm>>) target(%arg25 : memref<16x128xf32, #tpu.memory_space<vmem>>) offsets(%select_n3A_126 : vector<16xi32>) semaphore(%arg28 : memref<!tpu.dma_semaphore, #tpu.memory_space<semaphore_mem>>)
        %dma_wait3A = arith.constant 0 : i32
        %dma_wait3A_137 = arith.constant 0 : i32
        %dma_wait3A_138 = tpu.memref_slice %arg6[%dma_wait3A, %dma_wait3A_137] : memref<16384x128xf32, #tpu.memory_space<hbm>> -> memref<16384x128xf32, #tpu.memory_space<hbm>>
        tpu.wait_indirect_dma semaphore(%arg28 : memref<!tpu.dma_semaphore, #tpu.memory_space<semaphore_mem>>) src(%dma_wait3A_138 : memref<16384x128xf32, #tpu.memory_space<hbm>>) dst(%arg23 : memref<16x128xf32, #tpu.memory_space<vmem>>)
        %dma_wait3A_139 = arith.constant 0 : i32
        %dma_wait3A_140 = arith.constant 0 : i32
        %dma_wait3A_141 = tpu.memref_slice %arg7[%dma_wait3A_139, %dma_wait3A_140] : memref<16384x128xf32, #tpu.memory_space<hbm>> -> memref<16384x128xf32, #tpu.memory_space<hbm>>
        tpu.wait_indirect_dma semaphore(%arg28 : memref<!tpu.dma_semaphore, #tpu.memory_space<semaphore_mem>>) src(%dma_wait3A_141 : memref<16384x128xf32, #tpu.memory_space<hbm>>) dst(%arg25 : memref<16x128xf32, #tpu.memory_space<vmem>>)
        %dma_start3A_142 = arith.constant 0 : i32
        %dma_start3A_143 = arith.constant 0 : i32
        %dma_start3A_144 = tpu.memref_slice %arg2[%dma_start3A_142, %dma_start3A_143] : memref<100000x128xf32, #tpu.memory_space<hbm>> -> memref<100000x128xf32, #tpu.memory_space<hbm>>
        tpu.enqueue_indirect_dma source(%arg23 : memref<16x128xf32, #tpu.memory_space<vmem>>) target(%dma_start3A_144 : memref<100000x128xf32, #tpu.memory_space<hbm>>) offsets(%select_n3A_122 : vector<16xi32>) semaphore(%arg30 : memref<!tpu.dma_semaphore, #tpu.memory_space<semaphore_mem>>)
        %dma_start3A_145 = arith.constant 0 : i32
        %dma_start3A_146 = arith.constant 0 : i32
        %dma_start3A_147 = tpu.memref_slice %arg3[%dma_start3A_145, %dma_start3A_146] : memref<100000x128xf32, #tpu.memory_space<hbm>> -> memref<100000x128xf32, #tpu.memory_space<hbm>>
        tpu.enqueue_indirect_dma source(%arg25 : memref<16x128xf32, #tpu.memory_space<vmem>>) target(%dma_start3A_147 : memref<100000x128xf32, #tpu.memory_space<hbm>>) offsets(%select_n3A_122 : vector<16xi32>) semaphore(%arg30 : memref<!tpu.dma_semaphore, #tpu.memory_space<semaphore_mem>>)
      } else {
      }
    }
    %ge3A = arith.constant 1 : i32
    %ge3A_87 = arith.cmpi sge, %select_n3A, %ge3A : i32
    %convert_element_type3A = arith.extui %ge3A_87 : i1 to i32
    %cond3A = arith.constant 0 : i32
    %cond3A_88 = arith.cmpi ne, %convert_element_type3A, %cond3A : i32
    scf.if %cond3A_88 {
      %dma_wait3A = arith.constant 0 : i32
      %dma_wait3A_94 = arith.constant 0 : i32
      %dma_wait3A_95 = tpu.memref_slice %arg2[%dma_wait3A, %dma_wait3A_94] : memref<100000x128xf32, #tpu.memory_space<hbm>> -> memref<100000x128xf32, #tpu.memory_space<hbm>>
      tpu.wait_indirect_dma semaphore(%arg29 : memref<!tpu.dma_semaphore, #tpu.memory_space<semaphore_mem>>) src(%arg22 : memref<16x128xf32, #tpu.memory_space<vmem>>) dst(%dma_wait3A_95 : memref<100000x128xf32, #tpu.memory_space<hbm>>)
      %dma_wait3A_96 = arith.constant 0 : i32
      %dma_wait3A_97 = arith.constant 0 : i32
      %dma_wait3A_98 = tpu.memref_slice %arg3[%dma_wait3A_96, %dma_wait3A_97] : memref<100000x128xf32, #tpu.memory_space<hbm>> -> memref<100000x128xf32, #tpu.memory_space<hbm>>
      tpu.wait_indirect_dma semaphore(%arg29 : memref<!tpu.dma_semaphore, #tpu.memory_space<semaphore_mem>>) src(%arg24 : memref<16x128xf32, #tpu.memory_space<vmem>>) dst(%dma_wait3A_98 : memref<100000x128xf32, #tpu.memory_space<hbm>>)
    } else {
    }
    %ge3A_89 = arith.constant 2 : i32
    %ge3A_90 = arith.cmpi sge, %select_n3A, %ge3A_89 : i32
    %convert_element_type3A_91 = arith.extui %ge3A_90 : i1 to i32
    %cond3A_92 = arith.constant 0 : i32
    %cond3A_93 = arith.cmpi ne, %convert_element_type3A_91, %cond3A_92 : i32
    scf.if %cond3A_93 {
      %dma_wait3A = arith.constant 0 : i32
      %dma_wait3A_94 = arith.constant 0 : i32
      %dma_wait3A_95 = tpu.memref_slice %arg2[%dma_wait3A, %dma_wait3A_94] : memref<100000x128xf32, #tpu.memory_space<hbm>> -> memref<100000x128xf32, #tpu.memory_space<hbm>>
      tpu.wait_indirect_dma semaphore(%arg30 : memref<!tpu.dma_semaphore, #tpu.memory_space<semaphore_mem>>) src(%arg23 : memref<16x128xf32, #tpu.memory_space<vmem>>) dst(%dma_wait3A_95 : memref<100000x128xf32, #tpu.memory_space<hbm>>)
      %dma_wait3A_96 = arith.constant 0 : i32
      %dma_wait3A_97 = arith.constant 0 : i32
      %dma_wait3A_98 = tpu.memref_slice %arg3[%dma_wait3A_96, %dma_wait3A_97] : memref<100000x128xf32, #tpu.memory_space<hbm>> -> memref<100000x128xf32, #tpu.memory_space<hbm>>
      tpu.wait_indirect_dma semaphore(%arg30 : memref<!tpu.dma_semaphore, #tpu.memory_space<semaphore_mem>>) src(%arg25 : memref<16x128xf32, #tpu.memory_space<vmem>>) dst(%dma_wait3A_98 : memref<100000x128xf32, #tpu.memory_space<hbm>>)
    } else {
    }
    return
  }
}

module attributes {stable_mosaic.version = 14 : i64} {
  func.func @_pad_body(%arg0: i32, %arg1: memref<5000x100xf32, #tpu.memory_space<vmem>>, %arg2: memref<5000x128xf32, #tpu.memory_space<vmem>>) attributes {dimension_semantics = [#tpu.dimension_semantics<arbitrary>], iteration_bounds = array<i64: 20>, scalar_prefetch = 0 : i64, scratch_operands = 0 : i64, tpu.core_type = #tpu.core_type<tc>, window_params = [{transform_indices = @transform_0, window_bounds = array<i64: 5000, 100>}, {transform_indices = @transform_1, window_bounds = array<i64: 5000, 128>}]} {
    %get3A = arith.constant 0 : index
    %get3A_0 = arith.constant 0 : index
    %get3A_1 = vector.load %arg1[%get3A, %get3A_0] : memref<5000x100xf32, #tpu.memory_space<vmem>>, vector<5000x100xf32>
    %swap3A = arith.constant 0 : index
    %swap3A_2 = arith.constant 0 : index
    %swap3A_3 = vector.load %arg2[%swap3A, %swap3A_2] : memref<5000x128xf32, #tpu.memory_space<vmem>>, vector<5000x100xf32>
    tpu.vector_store %arg2[%swap3A, %swap3A_2], %get3A_1 {strides = array<i32>} : memref<5000x128xf32, #tpu.memory_space<vmem>>, vector<5000x100xf32>,
    return
  }
  func.func @transform_0(%arg0: i32) -> (i32, i32) {
    %c0_i32 = arith.constant 0 : i32
    %c0_i32_0 = arith.constant 0 : i32
    return %arg0, %c0_i32 : i32, i32
  }
  func.func @transform_1(%arg0: i32) -> (i32, i32) {
    %c0_i32 = arith.constant 0 : i32
    %c0_i32_0 = arith.constant 0 : i32
    return %arg0, %c0_i32 : i32, i32
  }
}

module attributes {stable_mosaic.version = 14 : i64} {
  func.func @_slice_body(%arg0: i32, %arg1: memref<5000x128xf32, #tpu.memory_space<vmem>>, %arg2: memref<5000x100xf32, #tpu.memory_space<vmem>>) attributes {dimension_semantics = [#tpu.dimension_semantics<arbitrary>], iteration_bounds = array<i64: 20>, scalar_prefetch = 0 : i64, scratch_operands = 0 : i64, tpu.core_type = #tpu.core_type<tc>, window_params = [{transform_indices = @transform_0, window_bounds = array<i64: 5000, 128>}, {transform_indices = @transform_1, window_bounds = array<i64: 5000, 100>}]} {
    %get3A = arith.constant 0 : index
    %get3A_0 = arith.constant 0 : index
    %get3A_1 = vector.load %arg1[%get3A, %get3A_0] : memref<5000x128xf32, #tpu.memory_space<vmem>>, vector<5000x100xf32>
    %swap3A = arith.constant 0 : index
    %swap3A_2 = arith.constant 0 : index
    %swap3A_3 = vector.load %arg2[%swap3A, %swap3A_2] : memref<5000x100xf32, #tpu.memory_space<vmem>>, vector<5000x100xf32>
    tpu.vector_store %arg2[%swap3A, %swap3A_2], %get3A_1 {strides = array<i32>} : memref<5000x100xf32, #tpu.memory_space<vmem>>, vector<5000x100xf32>,
    return
  }
  func.func @transform_0(%arg0: i32) -> (i32, i32) {
    %c0_i32 = arith.constant 0 : i32
    %c0_i32_0 = arith.constant 0 : i32
    return %arg0, %c0_i32 : i32, i32
  }
  func.func @transform_1(%arg0: i32) -> (i32, i32) {
    %c0_i32 = arith.constant 0 : i32
    %c0_i32_0 = arith.constant 0 : i32
    return %arg0, %c0_i32 : i32, i32
  }
}

module attributes {stable_mosaic.version = 14 : i64} {
  func.func @_copy_body(%arg0: i32, %arg1: memref<5000x128xf32, #tpu.memory_space<vmem>>, %arg2: memref<5000x128xf32, #tpu.memory_space<vmem>>) attributes {dimension_semantics = [#tpu.dimension_semantics<arbitrary>], iteration_bounds = array<i64: 20>, scalar_prefetch = 0 : i64, scratch_operands = 0 : i64, tpu.core_type = #tpu.core_type<tc>, window_params = [{transform_indices = @transform_0, window_bounds = array<i64: 5000, 128>}, {transform_indices = @transform_1, window_bounds = array<i64: 5000, 128>}]} {
    %get3A = arith.constant 0 : index
    %get3A_0 = arith.constant 0 : index
    %get3A_1 = vector.load %arg1[%get3A, %get3A_0] : memref<5000x128xf32, #tpu.memory_space<vmem>>, vector<5000x128xf32>
    %swap3A = arith.constant 0 : index
    %swap3A_2 = arith.constant 0 : index
    %swap3A_3 = vector.load %arg2[%swap3A, %swap3A_2] : memref<5000x128xf32, #tpu.memory_space<vmem>>, vector<5000x128xf32>
    tpu.vector_store %arg2[%swap3A, %swap3A_2], %get3A_1 {strides = array<i32>} : memref<5000x128xf32, #tpu.memory_space<vmem>>, vector<5000x128xf32>,
    return
  }
  func.func @transform_0(%arg0: i32) -> (i32, i32) {
    %c0_i32 = arith.constant 0 : i32
    %c0_i32_0 = arith.constant 0 : i32
    return %arg0, %c0_i32 : i32, i32
  }
  func.func @transform_1(%arg0: i32) -> (i32, i32) {
    %c0_i32 = arith.constant 0 : i32
    %c0_i32_0 = arith.constant 0 : i32
    return %arg0, %c0_i32 : i32, i32
  }
}

</mosaic_0001>

<sc_bundles>
// kernel: _run.6.cloned.1.call-start
scs
__scs_entry_jumppad:
0x0: {  	(pc) =	sbr.rel $0x88, $3  }
0x1: {  	(tag) =	ssettag $0x0;
	lr =	simm.s32 $0x1  }
0x2: {  	[smem:$0x3F98] =	sst lr;
	_ =	strace $0xD0000000  }
0x3: {  	_ = 	snop  }
0x4: {  	_ = 	snop  }
0x5: {  	_ = 	snop  }
0x6: {  	_ = 	snop  }
0x7: {  	_ = 	snop  }
__scs_overlays_trampoline_lowered:
0x8: {  	[smem:$0x3FA7] =	sst s0  }
0x9: {  	[smem:$0x3FA8] =	sst s1  }
0xa: {  	[smem:$0x3FA9] =	sst s2  }
0xb: {  	[smem:$0x3FAA] =	sst s3  }
0xc: {  	[smem:$0x3FAB] =	sst s4  }
0xd: {  	[smem:$0x3FAC] =	sst s5  }
0xe: {  	[smem:$0x3FAD] =	sst s6  }
0xf: {  	[smem:$0x3FAE] =	sst s7  }
0x10: {  	[smem:$0x3FAF] =	sst s8  }
0x11: {  	[smem:$0x3FB0] =	sst s9;
	s0 =	simm.s32 @!p0 $0x0  }
0x12: {  	s1 =	sld [smem:$0x3F96];
	s0 =	simm.s32 @p0 $0x1  }
0x13: {  	[smem:$0x3FB1] =	sst s0;
	s0 =	simm.s32 @!p1 $0x0  }
0x14: {  	s2 =	sld [smem:$0x3F95];
	s0 =	simm.s32 @p1 $0x1  }
0x15: {  	[smem:$0x3FB2] =	sst s0;
	s0 =	simm.s32 @!p2 $0x0  }
0x16: {  	s3 =	sld [smem:$0x3FDB];
	s0 =	simm.s32 @p2 $0x1  }
0x17: {  	s4 =	simm.s32 $0x1BF5;
	[smem:$0x3FB4] =	sst s0  }
0x18: {  	s0 =	sld [smem:$0x3F97];
	_ =	swait.ge [sflag:s4], $0x0  }
0x19: {  	s7 =	sld [smem:$0x3F98]  }
0x1a: {  	s8 =	sadd.s32 $0xFFFFE003, lr  }
0x1b: {  	s9 =	sadd.s32 $0xFFFFFEF7, lr;
	s5 =	simm.s32 $0xFFFFFFFF;
	p2 =	slt.u32 s8, $0xFFFFF086  }
0x1c: {  	p1 =	slt.u32 s9, $0xF7A;
	s5 =	simm.s32 @!p2 $0x0  }
0x1d: {  	s5 =	simm.s32 @p1 $0x1;
	p0 =	seq.s32 s7, s2  }
0x1e: {  	s7 =	smul.u32 @!p0 $0xF7A, s2;
	p2 =	seq.s32 @!p0 s5, $0x0  }
0x1f: {  	s9 =	smul.u32 $0xF7A, s1;
	s8 =	simm.s32 @!p0 $0x1BF5;
	p2 =	por !p2, p0  }
0x20: {  	[sflag:s8] =	ssyncset.s32 @!p0 $0xFFFFF086;
	s6 =	sadd.s32 @!p0 s3, s7;
	s7 =	simm.s32 @!p0 $0x108  }
0x21: {  	s3 =	sadd.s32 s3, s9;
	s6 =	sadd.s32 @!p0 $0x88, s6;
	s7 =	simm.s32 @p2 $0x1082  }
0x22: {  	[simem:s7], [sflag:s8] =	dma.local @!p0 [hbm:s6], $0xF7A  }
0x23: {  	s9 =	sor.u32 $0xD0000000, s2;
	s6 =	simm.s32 $0x108;
	_ =	swait.ge @!p0 [sflag:s8], $0x0  }
0x24: {  	s3 =	sadd.s32 $0x88, s3;
	s6 =	simm.s32 @!p1 $0x1082;
	[sflag:s4] =	ssyncset.s32 $0xFFFFF086  }
0x25: {  	[simem:s6], [sflag:s4] =	dma.local [hbm:s3], $0xF7A  }
0x26: {  	[smem:$0x3F98] =	sst s1;
	(tag) =	ssettag s2;
	_ =	strace s9  }
0x27: {  	s1 =	sld [smem:$0x3FA8]  }
0x28: {  	s2 =	sld [smem:$0x3FA9]  }
0x29: {  	s4 =	sld [smem:$0x3FAB]  }
0x2a: {  	p0 =	seq.s32 s5, $0x0;
	s5 =	sld [smem:$0x3FAC]  }
0x2b: {  	s6 =	sld [smem:$0x3FAD]  }
0x2c: {  	s7 =	sld [smem:$0x3FAE]  }
0x2d: {  	s3 =	simm.s32 $0x108;
	s8 =	sld [smem:$0x3FAF]  }
0x2e: {  	s3 =	simm.s32 @!p0 $0x1082;
	s9 =	sld [smem:$0x3FB0]  }
0x2f: {  	lr =	sadd.s32 s0, s3;
	s0 =	sld [smem:$0x3FA7]  }
0x30: {  	s3 =	sld [smem:$0x3FAA]  }
0x31: {  	[smem:$0x3FB3] =	sst s10  }
0x32: {  	s10 =	sld [smem:$0x3FB1];
	_ =	sdelay $0x3  }
0x33: {  	p0 =	seq.s32 s10, $0x1;
	s10 =	sld [smem:$0x3FB3];
	_ =	sdelay $0x3  }
0x34: {  	[smem:$0x3FB3] =	sst s10  }
0x35: {  	s10 =	sld [smem:$0x3FB2];
	_ =	sdelay $0x3  }
0x36: {  	p1 =	seq.s32 s10, $0x1;
	s10 =	sld [smem:$0x3FB3];
	_ =	sdelay $0x3  }
0x37: {  	[smem:$0x3FB3] =	sst s10  }
0x38: {  	s10 =	sld [smem:$0x3FB4]  }
0x39: {  	_ = 	snop;
	(pc) =	sbr.ind lr, $3  }
0x3a: {  	_ = 	snop  }
0x3b: {  	_ = 	snop  }
0x3c: {  	p2 =	seq.s32 s10, $0x1;
	s10 =	sld [smem:$0x3FB3]  }
0x3d: {  	_ =	shalt  }
0x3e: {  	_ =	shalt  }
0x3f: {  	_ =	shalt  }
0x40: {  	_ =	shalt  }
0x41: {  	_ =	shalt  }
0x42: {  	_ =	shalt  }
0x43: {  	_ =	shalt  }
0x44: {  	_ =	shalt  }
0x45: {  	_ =	shalt  }
0x46: {  	_ =	shalt  }
0x47: {  	_ =	shalt  }
0x48: {  	_ =	shalt  }
0x49: {  	_ =	shalt  }
0x4a: {  	_ =	shalt  }
0x4b: {  	_ =	shalt  }
0x4c: {  	_ =	shalt  }
0x4d: {  	_ =	shalt  }
0x4e: {  	_ =	shalt  }
0x4f: {  	_ =	shalt  }
0x50: {  	_ =	shalt  }
0x51: {  	_ =	shalt  }
0x52: {  	_ =	shalt  }
0x53: {  	_ =	shalt  }
0x54: {  	_ =	shalt  }
0x55: {  	_ =	shalt  }
0x56: {  	_ =	shalt  }
0x57: {  	_ =	shalt  }
0x58: {  	_ =	shalt  }
0x59: {  	_ =	shalt  }
0x5a: {  	_ =	shalt  }
0x5b: {  	_ =	shalt  }
0x5c: {  	_ =	shalt  }
0x5d: {  	_ =	shalt  }
0x5e: {  	_ =	shalt  }
0x5f: {  	_ =	shalt  }
0x60: {  	_ =	shalt  }
0x61: {  	_ =	shalt  }
0x62: {  	_ =	shalt  }
0x63: {  	_ =	shalt  }
0x64: {  	_ =	shalt  }
0x65: {  	_ =	shalt  }
0x66: {  	_ =	shalt  }
0x67: {  	_ =	shalt  }
0x68: {  	_ =	shalt  }
0x69: {  	_ =	shalt  }
0x6a: {  	_ =	shalt  }
0x6b: {  	_ =	shalt  }
0x6c: {  	_ =	shalt  }
0x6d: {  	_ =	shalt  }
0x6e: {  	_ =	shalt  }
0x6f: {  	_ =	shalt  }
0x70: {  	_ =	shalt  }
0x71: {  	_ =	shalt  }
0x72: {  	_ =	shalt  }
0x73: {  	_ =	shalt  }
0x74: {  	_ =	shalt  }
0x75: {  	_ =	shalt  }
0x76: {  	_ =	shalt  }
0x77: {  	_ =	shalt  }
0x78: {  	_ =	shalt  }
0x79: {  	_ =	shalt  }
0x7a: {  	_ =	shalt  }
0x7b: {  	_ =	shalt  }
0x7c: {  	_ =	shalt  }
0x7d: {  	_ =	shalt  }
0x7e: {  	_ =	shalt  }
0x7f: {  	_ =	shalt  }
0x80: {  	_ =	shalt  }
0x81: {  	_ =	shalt  }
0x82: {  	_ =	shalt  }
0x83: {  	_ =	shalt  }
0x84: {  	_ =	shalt  }
0x85: {  	_ =	shalt  }
0x86: {  	_ =	shalt  }
0x87: {  	_ =	shalt  }
.Lfunc_end0:
.L_simem_size_0:
called_computation_lowered:
.L_overlay_start_0:
0x88: {  	s2 =	sld [smem:$0x3FD9]  }
0x89: {  	s3 =	sld [smem:$0x3FFE];
	_ =	sdelay $0x1  }
0x8a: {  	s1 =	srdreg.scid  }
0x8b: {  	s0 =	sand.u32 $0x1, s1  }
0x8c: {  	s30 =	sshll.u32 s0, $0xA;
	s2 =	sadd.s32 s3, s2  }
0x8d: {  	s2 =	sadd.s32 s2, s30  }
0x8e: {  	[smem:$0x3FBF] =	sst s2  }
0x8f: {  	_ = 	snop  }
0x90: {  	s2 =	sld [smem:$0x3FC7]  }
0x91: {  	s31 =	sld [smem:$0x3FC6]  }
0x92: {  	s4 =	sld [smem:$0x3FC5]  }
0x93: {  	s5 =	sld [smem:$0x3FC4]  }
0x94: {  	s6 =	sld [smem:$0x3FD0]  }
0x95: {  	s7 =	sld [smem:$0x3FC3]  }
0x96: {  	s8 =	sld [smem:$0x3FC2]  }
0x97: {  	s10 =	simm.s32 $0xA;
	s11 =	simm.s32 $0x10;
	s9 =	sld [smem:$0x3FC1]  }
0x98: {  	[smem:s11], [sflag:s10] =	dma.local [hbm:s6], $0x1  }
0x99: {  	_ =	swait.eq [sflag:s10], $0x1  }
0x9a: {  	s11 =	sld [smem:$0x10];
	[sflag:s10] =	ssyncset.done $0x0  }
0x9b: {  	s17 =	sld [smem:$0x11];
	[sflag:s10] =	ssyncadd.s32 $0xFFFFFFFF  }
0x9c: {  	s18 =	sld [smem:$0x12];
	(tm) =	ssettm $0x1  }
0x9d: {  	s12 =	sld [smem:$0x3FFB];
	_ =	sdelay $0x3  }
0x9e: {  	_ =	strace s12  }
0x9f: {  	s12 =	sld [smem:$0x3FFC];
	_ =	sdelay $0x3  }
0xa0: {  	_ =	strace s12  }
0xa1: {  	s12 =	sld [smem:$0x3FFD];
	_ =	sdelay $0x3  }
0xa2: {  	_ =	strace s12  }
0xa3: {  	_ =	strace $0x8FFFFFFF  }
0xa4: {  	s19 =	sld [smem:$0x3FDB];
	_ =	sdelay $0x1  }
0xa5: {  	s13 =	simm.s32 $_scs_section_size  }
0xa6: {  	s14 =	simm.s32 $_size__tile_overlayer_lowered;
	s15 =	simm.s32 $_tile_overlayer_lowered  }
0xa7: {  	s22 =	simm.s32 $0x1BFF;
	s21 =	sshll.u32 s15, $0x1;
	s12 =	sadd.s32 s13, s19  }
0xa8: {  	s16 =	simm.s32 $0x0;
	s20 =	sshll.u32 s14, $0x1;
	s14 =	sadd.s32 s21, s12  }
0xa9: {  	[timem:s16], [sflag:s22] =	dma.local [hbm:s14], s20  }
0xaa: {  	_ =	swait.ge [sflag:s22], s20  }
0xab: {  	s13 =	ssub.s32 $0x0, s20;
	[sflag:s22] =	ssyncset.done $0x0  }
0xac: {  	[sflag:s22] =	ssyncadd.s32 s13;
	_ =	sdelay $0x1  }
0xad: {  	s23 =	simm.s32 $0x1B8B  }
0xae: {  	_ =	swait.ge [sflag:s23], $0x1  }
0xaf: {  	[sflag:s23] =	ssyncset.done $0x0  }
0xb0: {  	s25 =	simm.s32 $0x1B8E;
	s24 =	sld [smem:$0x3FFE];
	[sflag:s23] =	ssyncadd.s32 $0xFFFFFFFF  }
0xb1: {  	s26 =	simm.s32 $execute0_lowered;
	[smem:$0x3FD2] =	sst s25  }
0xb2: {  	s14 =	sshll.u32 s26, $0x1;
	_ =	strace $0x80000046;
	[dreg:$0x1] =	wrdreg $0xFFFFFFFF  }
0xb3: {  	s28 =	simm.s32 $_size_execute0_lowered;
	s12 =	sadd.s32 s12, s14;
	[dreg:$0x0] =	wrdreg $0x0  }
0xb4: {  	s14 =	sshll.u32 s28, $0x1;
	[dreg:$0x2] =	wrdreg s12  }
0xb5: {  	[dreg:$0x3] =	wrdreg s14  }
0xb6: {  	[dreg:$0x4] =	wrdreg $0xC0  }
0xb7: {  	_ =	task [dreg:s16], $0x5FFFF  }
0xb8: {  	[dreg:$0x1] =	wrdreg $0xFFFFFFFF  }
0xb9: {  	[dreg:$0x0] =	wrdreg $0x60  }
0xba: {  	[dreg:$0x2] =	wrdreg s11  }
0xbb: {  	[dreg:$0x3] =	wrdreg s24  }
0xbc: {  	[dreg:$0x4] =	wrdreg s2  }
0xbd: {  	[dreg:$0x5] =	wrdreg s31  }
0xbe: {  	[dreg:$0x6] =	wrdreg s4  }
0xbf: {  	[dreg:$0x7] =	wrdreg s5  }
0xc0: {  	[dreg:$0x8] =	wrdreg s7  }
0xc1: {  	[dreg:$0x9] =	wrdreg s8  }
0xc2: {  	[dreg:$0xa] =	wrdreg s9  }
0xc3: {  	[dreg:$0xb] =	wrdreg s17  }
0xc4: {  	[dreg:$0xc] =	wrdreg s18  }
0xc5: {  	[dreg:$0xd] =	wrdreg $0x9  }
0xc6: {  	_ =	task.clear_ibuf [dreg:s16], $0xEFFFF;
	_ =	strace $0x90000046  }
0xc7: {  	s29 =	simm.s32 $0x9;
	_ =	strace $0x80000048  }
0xc8: {  	_ =	swait.ge [sflag:s29], $0x1  }
0xc9: {  	[sflag:s29] =	ssyncadd.s32 $0xFFFFFFFF  }
0xca: {  	_ =	strace $0x90000048  }
0xcb: {  	_ =	sfence  }
0xcc: {  	s30 =	sld [smem:$0x0];
	_ =	sdelay $0x2  }
0xcd: {  	s31 =	sshll.u32 s1, $0xD;
	s1 =	sshrl.u32 s1, $0x2  }
0xce: {  	s3 =	sand.u32 $0x4000, s31;
	s1 =	sadd.s32 s1, s30  }
0xcf: {  	s0 =	sor.u32 s3, s0;
	s1 =	sshll.u32 s1, $0x11  }
0xd0: {  	s0 =	sor.u32 s1, s0  }
0xd1: {  	s0 =	sadd.s32 $0x8F2B, s0  }
0xd2: {  	[sflag:s0] =	ssyncadd.remote.s32 $0x1  }
0xd3: {  	_ =	sfence.sel $0xFFFF  }
0xd4: {  	[dreg:$0x0] =	wrdreg $0xFFFFFFFF;
	(pc) =	sbr.abs _section_cstart, $3  }
0xd5: {  	[dreg:$0x1] =	wrdreg $0xFFFFFFFF  }
0xd6: {  	_ =	task.clear_ibuf [dreg:s16], $0x2FFFF;
	_ =	strace $0x9FFFFFFF  }
0xd7: {  	(tm) =	ssettm $0x7FFFFFFF  }
tec
execute0_lowered:
.L_overlay_start_1:
0x0: {  	(tag) =	ssettag $0x1  }
0x1: {  	s0 =	rddreg [dreg:$0x0]  }
0x2: {  	s5 =	rddreg [dreg:$0x1]  }
0x3: {  	s1 =	rddreg [dreg:$0x2]  }
0x4: {  	s2 =	rddreg [dreg:$0x3]  }
0x5: {  	s3 =	rddreg [dreg:$0x4]  }
0x6: {  	s4 =	rddreg [dreg:$0x5];
	s6 =	srdreg.scid  }
0x7: {  	s7 =	stileid.u32;
	s10 =	rddreg [dreg:$0x9]  }
0x8: {  	s12 =	rddreg [dreg:$0xa];
	s13 =	simm.s32 $0x0;
	s20 =	simm.s32 $0x5  }
0x9: {  	s21 =	simm.s32 $0x4000;
	s6 =	sand.u32 $0x1, s6;
	s15 =	smul.u32 $0xC80, s7  }
0xa: {  	s23 =	simm.s32 $0x8000;
	s30 =	smul.u32 $0xFFFFF380, s7;
	s8 =	sshll.u32 s6, $0x4  }
0xb: {  	s24 =	simm.s32 $0xA680;
	s18 =	smul.u32 $0xC800, s6;
	s8 =	sor.u32 s7, s8  }
0xc: {  	s25 =	simm.s32 $0xAA00;
	s26 =	simm.s32 $0x0;
	s11 =	smul.u32 $0xC80, s8  }
.Ltmp0:
0xd: {  	v2 =	vimm.s32 $0xFFFFFFFF;
	v3 =	vimm.s32 $0x0;
	[smem:$0x7FF] =	sst s13;
	s6 =	ssub.s32 $0x2, s6;
	(pc) =	sbr.rel .LBB2_1-.Ltmp0, $4  }
0xe: {  	v4 =	vlaneseq.u32;
	vm0 =	vmmov $0x1;
	vm8 =	vcmask $0x2320;
	_ =	strace $0x80000047;
	s29 =	sshrl.u32 s6, $0x1;
	s8 =	smin.u32 s11, $0x17A20  }
0xf: {  	vm9 =	vcmask $0x2724;
	vm10 =	vcmask $0x2B28;
	vm11 =	vcmask $0x2F2C;
	s15 =	sadd.s32 s15, s18;
	s18 =	ssub.s32 s30, s18;
	s14 =	sadd.s32 $0xC80, s8  }
0x10: {  	vm12 =	vcmask $0x3330;
	vm13 =	vcmask $0x3734;
	s31 =	smin.u32 s15, $0x17A20;
	v1 =	vmov s14;
	s14 =	sadd.s32 $0x187200, s5;
	s5 =	ssub.s32 s6, s29  }
0x11: {  	vm14 =	vcmask $0x3B38;
	vm15 =	vcmask $0x3F3C;
	v0 =	vmov s11;
	s19 =	sadd.s32 $0x960, s31;
	s16 =	sadd.s32 $0x960, s8;
	s17 =	smax.u32 s5, $0x1  }
.LBB2_18:
0x12: {  	p0 =	slt.s32 s28, $0x1  }
0x13: {  	s5 =	simm.s32 @!p0 $0x3  }
0x14: {  	_ =	swait.ge @!p0 [sflag:s5], $0x800  }
0x15: {  	[sflag:s5] =	ssyncset.done @!p0 $0x0  }
0x16: {  	[sflag:s5] =	ssyncadd.s32 @!p0 $0xFFFFF800  }
0x17: {  	p1 =	seq.s32 @!p0 s28, $0x1;
	_ =	swait.ge @!p0 [sflag:s5], $0x800  }
0x18: {  	p1 =	por p1, p0;
	[sflag:s5] =	ssyncset.done @!p0 $0x0  }
0x19: {  	s26 =	sadd.s32 $0x1, s26;
	[sflag:s5] =	ssyncadd.s32 @!p0 $0xFFFFF800;
	s5 =	simm.s32 @!p1 $0x4  }
0x1a: {  	p0 =	sne.s32 s26, s17;
	_ =	swait.ge @!p1 [sflag:s5], $0x800  }
.Ltmp1:
0x1b: {  	[sflag:s5] =	ssyncset.done @!p1 $0x0;
	(pc) =	sbr.rel @!p0 .LBB2_19-.Ltmp1, $4  }
0x1c: {  	[sflag:s5] =	ssyncadd.s32 @!p1 $0xFFFFF800  }
0x1d: {  	_ =	swait.ge @!p1 [sflag:s5], $0x800  }
0x1e: {  	[sflag:s5] =	ssyncset.done @!p1 $0x0  }
0x1f: {  	[sflag:s5] =	ssyncadd.s32 @!p1 $0xFFFFF800  }
.LBB2_1:
0x20: {  	s5 =	rddreg [dreg:$0x7]  }
0x21: {  	[tilespmem:s13], [sflag:$0x5] =	stream.linear.gather [hbm4b:s5+s13], $0x4000, $0x38;
	[tilespmem:$0xCE00] =	vst v63  }
0x22: {  	_ =	swait.ge [sflag:s20], $0x4000  }
0x23: {  	[sflag:s20] =	ssyncset.done $0x0  }
0x24: {  	[sflag:s20] =	ssyncadd.s32 $0xFFFFC000  }
0x25: {  	s30 =	rddreg [dreg:$0x6]  }
0x26: {  	[tilespmem:s21], [sflag:$0x5] =	stream.linear.gather [hbm4b:s30+s13], $0x4000, $0x38;
	[tilespmem:$0xCE00] =	vst v63  }
0x27: {  	_ =	swait.ge [sflag:s20], $0x4000  }
0x28: {  	[sflag:s20] =	ssyncset.done $0x0  }
0x29: {  	[sflag:s20] =	ssyncadd.s32 $0xFFFFC000  }
0x2a: {  	s6 =	simm.s32 $0xCD80;
	s31 =	rddreg [dreg:$0x8]  }
0x2b: {  	[tilespmem:s6], [sflag:$0x5] =	stream.linear.gather [hbm4b:s31+s13], $0x80, $0x38;
	[tilespmem:$0xCE00] =	vst v63  }
0x2c: {  	_ =	swait.ge [sflag:s20], $0x80  }
0x2d: {  	[sflag:s20] =	ssyncset.done $0x0  }
0x2e: {  	[sflag:s20] =	ssyncadd.s32 $0xFFFFFF80  }
0x2f: {  	s5 =	simm.s32 $0x0;
	v5 =	vld [tilespmem:$0xCD80]  }
.LBB2_2:
0x30: {  	p0 =	sne.s32 s5, $0x31C0  }
.Ltmp2:
0x31: {  	_ = 	snop;
	(pc) =	sbr.rel @p0 .LBB2_2-.Ltmp2, $3  }
0x32: {  	_ =	sdelay $0x1  }
0x33: {  	s6 =	sshra.s32 s5, $0x2  }
0x34: {  	s5 =	sadd.s32 $0x40, s5;
	[tilespmem:s6+$0x8000] =	vst v2  }
.Ltmp3:
0x35: {  	(pc) =	sbr.rel .LBB2_4-.Ltmp3, $2  }
0x36: {  	_ =	sdelay $0x2  }
0x37: {  	s5 =	simm.s32 $0x0;
	s8 =	simm.s32 $0x0  }
.LBB2_7:
0x38: {  	_ =	sdelay $0x4  }
0x39: {  	[tilespmem:v6+s23+$0x0] =	vst.idx.msk vm1, v7  }
.LBB2_8:
0x3a: {  	s8 =	sadd.s32 $0x10, s8  }
0x3b: {  	p0 =	sne.s32 s8, $0x4000  }
.Ltmp4:
0x3c: {  	_ = 	snop;
	(pc) =	sbr.rel @!p0 .LBB2_9-.Ltmp4, $2  }
0x3d: {  	_ =	sdelay $0x2  }
0x3e: {  	s5 =	sadd.s32 $0x10, s5;
	s28 =	simm.s32 $0x0  }
.LBB2_4:
0x3f: {  	v6 =	vld [tilespmem:s5+$0x0];
	_ =	sdelay $0x4  }
0x40: {  	vm1 =	vge.s32 v6, v0;
	vm2 =	vlt.s32 v6, v1  }
0x41: {  	vm1 =	vmand vm1, vm2  }
0x42: {  	v7 =	vsel vm1, $0x1, v3  }
0x43: {  	(xrf0) =	vadd.scan.msk.s32 $0xffff, v7;
	_ =	sdelay $0x5  }
0x44: {  	v7, _, _ =	vpop (xrf0)  }
0x45: {  	(v2sf) =	vpush v7, $0xF;
	_ =	sdelay $0xe  }
0x46: {  	s6 =	spop (v2sf)  }
0x47: {  	p0 =	seq.s32 s6, $0x1  }
.Ltmp5:
0x48: {  	_ = 	snop;
	(pc) =	sbr.rel @p0 .LBB2_7-.Ltmp5, $3  }
0x49: {  	_ =	sdelay $0x1  }
0x4a: {  	v6 =	vsub.s32 v6, v0  }
0x4b: {  	v6 =	vnsel vm1, $0x0, v6;
	v7 =	vor.u32 s8, v4  }
0x4c: {  	p0 =	slt.s32 s6, $0x2  }
.Ltmp6:
0x4d: {  	_ = 	snop;
	(pc) =	sbr.rel @p0 .LBB2_8-.Ltmp6, $1  }
0x4e: {  	_ =	sdelay $0x3  }
0x4f: {  	vm2 =	vmand vm1, vm0;
	vm3 =	vcmask $0x704  }
0x50: {  	vm3 =	vmand vm1, vm3  }
0x51: {  	vm4 =	vcmask $0xB08  }
0x52: {  	vm5 =	vcmask $0xF0C;
	vm4 =	vmand vm1, vm4  }
0x53: {  	vm6 =	vcmask $0x1310;
	vm5 =	vmand vm1, vm5  }
0x54: {  	vm7 =	vcmask $0x1714;
	vm6 =	vmand vm1, vm6  }
0x55: {  	vm7 =	vmand vm1, vm7;
	[tilespmem:v6+s23+$0x0] =	vst.idx.msk vm2, v7;
	vm2 =	vcmask $0x1B18  }
0x56: {  	vm2 =	vmand vm1, vm2;
	[tilespmem:v6+s23+$0x0] =	vst.idx.msk vm3, v7;
	vm3 =	vcmask $0x1F1C  }
0x57: {  	vm3 =	vmand vm1, vm3  }
0x58: {  	[tilespmem:v6+s23+$0x0] =	vst.idx.msk vm4, v7;
	vm4 =	vmand vm1, vm8  }
0x59: {  	[tilespmem:v6+s23+$0x0] =	vst.idx.msk vm5, v7;
	vm5 =	vmand vm1, vm9  }
0x5a: {  	[tilespmem:v6+s23+$0x0] =	vst.idx.msk vm6, v7;
	vm6 =	vmand vm1, vm10  }
0x5b: {  	[tilespmem:v6+s23+$0x0] =	vst.idx.msk vm7, v7;
	vm7 =	vmand vm1, vm11  }
0x5c: {  	[tilespmem:v6+s23+$0x0] =	vst.idx.msk vm2, v7;
	vm2 =	vmand vm1, vm12  }
0x5d: {  	[tilespmem:v6+s23+$0x0] =	vst.idx.msk vm3, v7;
	vm3 =	vmand vm1, vm13  }
0x5e: {  	[tilespmem:v6+s23+$0x0] =	vst.idx.msk vm4, v7;
	vm4 =	vmand vm1, vm14  }
0x5f: {  	[tilespmem:v6+s23+$0x0] =	vst.idx.msk vm5, v7  }
.Ltmp7:
0x60: {  	[tilespmem:v6+s23+$0x0] =	vst.idx.msk vm6, v7;
	(pc) =	sbr.rel .LBB2_7-.Ltmp7, $4  }
0x61: {  	[tilespmem:v6+s23+$0x0] =	vst.idx.msk vm7, v7  }
0x62: {  	[tilespmem:v6+s23+$0x0] =	vst.idx.msk vm2, v7  }
0x63: {  	[tilespmem:v6+s23+$0x0] =	vst.idx.msk vm3, v7  }
0x64: {  	vm1 =	vmand vm1, vm15;
	[tilespmem:v6+s23+$0x0] =	vst.idx.msk vm4, v7  }
.LBB2_9:
0x65: {  	s29 =	smov.u32 s15;
	s30 =	simm.s32 $0x0  }
.LBB2_10:
0x66: {  	s5 =	smul.u32 $0x320, s30;
	_ =	sdelay $0x1  }
0x67: {  	s5 =	sadd.s32 s11, s5  }
0x68: {  	s6 =	smov.u32 s16;
	p0 =	slt.s32 s5, s16  }
0x69: {  	s6 =	smov.u32 @p0 s5  }
0x6a: {  	s8 =	sshrl.u32 s6, $0x3  }
0x6b: {  	s22 =	sadd.s32 s1, s8  }
0x6c: {  	[tilespmem:s24], [sflag:$0x5] =	stream.linear.gather [hbm4b:s22+s28], $0x320, $0x38;
	[tilespmem:$0xCE00] =	vst v63  }
0x6d: {  	p0 =	slt.s32 s29, s19;
	s5 =	smov.u32 s19;
	_ =	swait.ge [sflag:s20], $0x320  }
0x6e: {  	s5 =	smov.u32 @p0 s29;
	[sflag:s20] =	ssyncset.done $0x0  }
0x6f: {  	s5 =	sadd.s32 s5, s18;
	s6 =	sadd.s32 s2, s8;
	[sflag:s20] =	ssyncadd.s32 $0xFFFFFCE0  }
0x70: {  	[tilespmem:s25], [sflag:$0x5] =	stream.linear.gather [hbm4b:s6+s28], $0x320, $0x38;
	[tilespmem:$0xCE00] =	vst v63  }
0x71: {  	s5 =	sshll.u32 s5, $0x2;
	_ =	swait.ge [sflag:s20], $0x320  }
0x72: {  	s5 =	sshra.s32 s5, $0x2;
	[sflag:s20] =	ssyncset.done $0x0  }
0x73: {  	s5 =	sadd.s32 $0x8000, s5;
	[sflag:s20] =	ssyncadd.s32 $0xFFFFFCE0  }
0x74: {  	v6 =	vld [tilespmem:s5+$0x0]  }
0x75: {  	s31 =	simm.s32 $0x0;
	s6 =	simm.s32 $0x10  }
.LBB2_11:
0x76: {  	p0 =	sne.s32 s6, $0x310;
	_ =	sdelay $0x2  }
0x77: {  	vm1 =	vgt.s32 v6, $0x0  }
0x78: {  	v7 =	vnsel vm1, $0x0, v6;
	_ =	sdelay $0x4  }
0x79: {  	vm1 =	vgt.s32 v6, $0xFFFFFFFF;
	v6 =	vld.idx.msk [tilespmem:v7+s21+$0x0], $0xffff;
	v7 =	vor.u32 s31, v4;
	s31 =	smov.u32 s6  }
0x7a: {  	v7 =	vnsel vm1, $0x320, v7;
	_ =	sdelay $0x3  }
.Ltmp8:
0x7b: {  	(pc) =	sbr.rel @p0 .LBB2_11-.Ltmp8, $4  }
0x7c: {  	[tilespmem:v7+s24+$0x0] =	vst.idx.msk vm1, v6  }
0x7d: {  	s5 =	sadd.s32 $0x10, s5;
	[tilespmem:v7+s25+$0x0] =	vst.idx.msk vm1, v5  }
0x7e: {  	v6 =	vld [tilespmem:s5+$0x0]  }
0x7f: {  	s6 =	sadd.s32 $0x10, s6  }
0x80: {  	_ =	sdelay $0x2  }
0x81: {  	vm1 =	vgt.s32 v6, $0x0  }
0x82: {  	v7 =	vnsel vm1, $0x0, v6;
	_ =	sdelay $0x3  }
0x83: {  	vm1 =	vgt.s32 v6, $0xFFFFFFFF;
	v6 =	vor.u32 s31, v4  }
0x84: {  	v6 =	vnsel vm1, $0x320, v6;
	v7 =	vld.idx.msk [tilespmem:v7+s21+$0x0], $0xffff;
	_ =	sdelay $0x4  }
0x85: {  	[tilespmem:v6+s24+$0x0] =	vst.idx.msk vm1, v7  }
0x86: {  	s6 =	sadd.s32 s10, s8;
	s5 =	simm.s32 $0x0;
	[tilespmem:v6+s25+$0x0] =	vst.idx.msk vm1, v5  }
0x87: {  	[hbm4b:s6+s5] =	stream.linear.scatter [tilespmem:s24], [sflag:$0x5], $0x320, $0x38;
	[tilespmem:$0xCE00] =	vst v63  }
0x88: {  	s30 =	sadd.s32 $0x1, s30;
	_ =	swait.ge [sflag:s20], $0x320  }
0x89: {  	p0 =	sne.s32 s30, $0x4;
	[sflag:s20] =	ssyncset.done $0x0  }
.Ltmp9:
0x8a: {  	s31 =	sadd.s32 s12, s8;
	[sflag:s20] =	ssyncadd.s32 $0xFFFFFCE0;
	(pc) =	sbr.rel @p0 .LBB2_10-.Ltmp9, $4  }
0x8b: {  	[hbm4b:s31+s5] =	stream.linear.scatter [tilespmem:s25], [sflag:$0x5], $0x320, $0x38;
	[tilespmem:$0xCE00] =	vst v63  }
0x8c: {  	_ =	swait.ge [sflag:s20], $0x320  }
0x8d: {  	[sflag:s20] =	ssyncset.done $0x0  }
0x8e: {  	s29 =	sadd.s32 $0x320, s29;
	[sflag:s20] =	ssyncadd.s32 $0xFFFFFCE0  }
0x8f: {  	s6 =	sshra.s32 s5, $0x2  }
0x90: {  	v5 =	vld [tilespmem:s6+$0x8000];
	_ =	sdelay $0x4  }
0x91: {  	vm1 =	vgt.s32 v5, $0xFFFFFFFF  }
0x92: {  	v6 =	vsel vm1, $0x1, v3  }
0x93: {  	(xrf0) =	vadd.scan.msk.s32 $0xffff, v6;
	_ =	sdelay $0x5  }
0x94: {  	v7, _, _ =	vpop (xrf0)  }
0x95: {  	v6 =	vor.u32 s15, v4;
	(v2sf) =	vpush v7, $0xF  }
0x96: {  	s31 =	sadd.s32 $0x40, s5;
	[tilespmem:s5+$0x8C80] =	vst.msk vm1, v6  }
0x97: {  	s8 =	smov.u32 s15;
	s28 =	sshra.s32 s31, $0x2;
	s6 =	sadd.s32 $0x40, s31;
	[tilespmem:s5+$0x9980] =	vst.msk vm1, v5  }
.LBB2_14:
0x98: {  	p0 =	sne.s32 s6, $0x31C0;
	v5 =	vld [tilespmem:s28+$0x8000];
	_ =	sdelay $0x4  }
0x99: {  	vm1 =	vgt.s32 v5, $0xFFFFFFFF  }
0x9a: {  	v6 =	vsel vm1, $0x1, v3  }
0x9b: {  	(xrf0) =	vadd.scan.msk.s32 $0xffff, v6;
	_ =	sdelay $0x4  }
.Ltmp10:
0x9c: {  	s8 =	sadd.s32 $0x10, s8;
	s28 =	spop (v2sf);
	(pc) =	sbr.rel @p0 .LBB2_14-.Ltmp10, $4  }
0x9d: {  	v6 =	vor.u32 s8, v4;
	v7, _, _ =	vpop (xrf0);
	s5 =	sadd.s32 s5, s28  }
0x9e: {  	[tilespmem:s5+$0x8C80] =	vst.msk vm1, v6;
	(v2sf) =	vpush v7, $0xF  }
0x9f: {  	[tilespmem:s5+$0x9980] =	vst.msk vm1, v5  }
0xa0: {  	s28 =	sshra.s32 s6, $0x2;
	s6 =	sadd.s32 $0x40, s6  }
0xa1: {  	v5 =	vld [tilespmem:s28+$0x8000];
	_ =	sdelay $0x4  }
0xa2: {  	vm1 =	vgt.s32 v5, $0xFFFFFFFF  }
0xa3: {  	v6 =	vsel vm1, $0x1, v3  }
0xa4: {  	(xrf0) =	vadd.scan.msk.s32 $0xffff, v6;
	_ =	sdelay $0x5  }
0xa5: {  	v6, _, _ =	vpop (xrf0)  }
0xa6: {  	(v2sf) =	vpush v6, $0xF;
	_ =	sdelay $0xd  }
0xa7: {  	s6 =	spop (v2sf)  }
0xa8: {  	s5 =	sadd.s32 s5, s6;
	s6 =	spop (v2sf)  }
0xa9: {  	s28 =	sadd.s32 s5, s6  }
0xaa: {  	s28 =	sadd.s32 $0xF, s28  }
0xab: {  	s29 =	sand.u32 $0xF, s28  }
0xac: {  	s30 =	sshra.s32 s28, $0x1F;
	p0 =	slt.s32 s28, $0x1;
	p1 =	sne.s32 s29, $0x0  }
0xad: {  	s29 =	sshrl.u32 s30, $0x1C;
	p0 =	por !p0, !p1  }
0xae: {  	s28 =	sadd.s32 s29, s28;
	s29 =	simm.s32 $0x1;
	p0 =	por !p0, !p0  }
0xaf: {  	s28 =	sshra.s32 s28, $0x4;
	s29 =	simm.s32 @!p0 $0x0  }
0xb0: {  	s28 =	ssub.s32 s28, s29  }
0xb1: {  	s29 =	sadd.s32 $0x1, s28  }
0xb2: {  	s22 =	sand.u32 $0x1, s29  }
0xb3: {  	p5 =	slt.s32 s28, $0x0;
	p6 =	seq.s32 s22, $0x1  }
0xb4: {  	s31 =	sshrl.u32 s29, $0x1F;
	p0 =	por !p5, !p6  }
0xb5: {  	s30 =	simm.s32 $0x1;
	s29 =	sadd.s32 s31, s29;
	p0 =	por !p0, !p0  }
0xb6: {  	s29 =	sshra.s32 s29, $0x1;
	s30 =	simm.s32 @!p0 $0x0  }
0xb7: {  	s29 =	ssub.s32 s29, s30  }
0xb8: {  	p0 =	slt.s32 s29, $0x1  }
.Ltmp11:
0xb9: {  	_ = 	snop;
	(pc) =	sbr.rel @p0 .LBB2_18-.Ltmp11, $4  }
0xba: {  	s8 =	sadd.s32 $0x10, s8  }
0xbb: {  	v6 =	vor.u32 s8, v4  }
0xbc: {  	[tilespmem:s5+$0x8C80] =	vst.msk vm1, v6  }
0xbd: {  	[tilespmem:s5+$0x9980] =	vst.msk vm1, v5  }
0xbe: {  	s30 =	sadd.s32 s5, s6  }
0xbf: {  	s31 =	simm.s32 $0x0;
	s8 =	simm.s32 $0x8C90;
	s5 =	simm.s32 $0x9990  }
.LBB2_17:
0xc0: {  	p0 =	sge.s32 s31, s28  }
0xc1: {  	v5 =	vld @!p0 [tilespmem:s5+$0xFFFFFFF0];
	_ =	sdelay $0x2  }
0xc2: {  	p1 =	seq.s32 @!p0 s31, $0x0  }
0xc3: {  	p1 =	por p1, p0  }
0xc4: {  	v7 =	vmov @!p0 s30;
	v8 =	vlaneseq.u32 @!p0;
	s6 =	simm.s32 @!p1 $0x3;
	v9 =	vbroadcast @!p0 v5, $0x0  }
0xc5: {  	v6 =	vld @!p0 [tilespmem:s8+$0xFFFFFFF0];
	vm1 =	vgt.s32 @!p0 v7, v8;
	_ =	swait.ge @!p1 [sflag:s6], $0x800  }
0xc6: {  	[sflag:s6] =	ssyncset.done @!p1 $0x0;
	v5 =	vsel @!p0 vm1, v5, v9  }
0xc7: {  	[sflag:s6] =	ssyncadd.s32 @!p1 $0xFFFFF800  }
0xc8: {  	_ =	swait.ge @!p1 [sflag:s6], $0x800  }
0xc9: {  	[sflag:s6] =	ssyncset.done @!p1 $0x0  }
0xca: {  	vm2 =	vmmov @!p0 $0xffff;
	s7 =	simm.s32 @!p0 $0xAD80;
	[sflag:s6] =	ssyncadd.s32 @!p1 $0xFFFFF800;
	s6 =	simm.s32 @!p0 $0x0  }
0xcb: {  	[tilespmem:s7], [sflag:$0x1] =	stream.indirect_vreg.gather @!p0 [hbm4b:s3+s6], $0x80, v5, vm2, $0xb8;
	[tilespmem:$0xCE00] =	vst v63  }
0xcc: {  	s9 =	simm.s32 @!p0 $0xBD80;
	s22 =	simm.s32 @!p0 $0x1  }
0xcd: {  	[tilespmem:s9], [sflag:$0x1] =	stream.indirect_vreg.gather @!p0 [hbm4b:s4+s6], $0x80, v5, vm2, $0xb8;
	v5 =	vbroadcast @!p0 v6, $0x0;
	[tilespmem:$0xCE00] =	vst v63  }
0xce: {  	_ =	swait.ge @!p0 [sflag:s22], $0x800  }
0xcf: {  	v5 =	vsel @!p0 vm1, v6, v5;
	[sflag:s22] =	ssyncset.done @!p0 $0x0  }
0xd0: {  	[sflag:s22] =	ssyncadd.s32 @!p0 $0xFFFFF800  }
0xd1: {  	_ =	swait.ge @!p0 [sflag:s22], $0x800  }
0xd2: {  	[sflag:s22] =	ssyncset.done @!p0 $0x0  }
0xd3: {  	[sflag:s22] =	ssyncadd.s32 @!p0 $0xFFFFF800  }
0xd4: {  	[hbm4b:s0+s6] =	stream.indirect_vreg.scatter @!p0 [tilespmem:s7], [sflag:$0x3], $0x80, v5, vm2, $0xb8;
	[tilespmem:$0xCE00] =	vst v63  }
0xd5: {  	s22 =	sadd.s32 $0x1, s31  }
0xd6: {  	[hbm4b:s14+s6] =	stream.indirect_vreg.scatter @!p0 [tilespmem:s9], [sflag:$0x3], $0x80, v5, vm2, $0xb8;
	[tilespmem:$0xCE00] =	vst v63  }
0xd7: {  	p0 =	sge.s32 s22, s28  }
0xd8: {  	v5 =	vld @!p0 [tilespmem:s5+$0x0];
	_ =	sdelay $0x2  }
0xd9: {  	p1 =	seq.s32 @!p0 s31, $0x0  }
0xda: {  	s6 =	sadd.s32 @!p0 $0xFFFFFFF0, s30;
	p1 =	por p1, p0  }
0xdb: {  	v8 =	vlaneseq.u32 @!p0;
	v7 =	vmov @!p0 s6;
	s6 =	simm.s32 @!p1 $0x4;
	v9 =	vbroadcast @!p0 v5, $0x0  }
0xdc: {  	v6 =	vld @!p0 [tilespmem:s8+$0x0];
	vm1 =	vgt.s32 @!p0 v7, v8;
	_ =	swait.ge @!p1 [sflag:s6], $0x800  }
0xdd: {  	[sflag:s6] =	ssyncset.done @!p1 $0x0;
	v5 =	vsel @!p0 vm1, v5, v9  }
0xde: {  	[sflag:s6] =	ssyncadd.s32 @!p1 $0xFFFFF800  }
0xdf: {  	_ =	swait.ge @!p1 [sflag:s6], $0x800  }
0xe0: {  	[sflag:s6] =	ssyncset.done @!p1 $0x0  }
0xe1: {  	vm2 =	vmmov @!p0 $0xffff;
	s7 =	simm.s32 @!p0 $0xB580;
	[sflag:s6] =	ssyncadd.s32 @!p1 $0xFFFFF800;
	s6 =	simm.s32 @!p0 $0x0  }
0xe2: {  	[tilespmem:s7], [sflag:$0x2] =	stream.indirect_vreg.gather @!p0 [hbm4b:s3+s6], $0x80, v5, vm2, $0xb8;
	[tilespmem:$0xCE00] =	vst v63  }
0xe3: {  	s9 =	simm.s32 @!p0 $0xC580;
	s22 =	simm.s32 @!p0 $0x2  }
0xe4: {  	[tilespmem:s9], [sflag:$0x2] =	stream.indirect_vreg.gather @!p0 [hbm4b:s4+s6], $0x80, v5, vm2, $0xb8;
	v5 =	vbroadcast @!p0 v6, $0x0;
	[tilespmem:$0xCE00] =	vst v63  }
0xe5: {  	_ =	swait.ge @!p0 [sflag:s22], $0x800  }
0xe6: {  	v5 =	vsel @!p0 vm1, v6, v5;
	[sflag:s22] =	ssyncset.done @!p0 $0x0  }
0xe7: {  	[sflag:s22] =	ssyncadd.s32 @!p0 $0xFFFFF800  }
0xe8: {  	_ =	swait.ge @!p0 [sflag:s22], $0x800  }
0xe9: {  	[sflag:s22] =	ssyncset.done @!p0 $0x0  }
0xea: {  	[sflag:s22] =	ssyncadd.s32 @!p0 $0xFFFFF800  }
0xeb: {  	[hbm4b:s0+s6] =	stream.indirect_vreg.scatter @!p0 [tilespmem:s7], [sflag:$0x4], $0x80, v5, vm2, $0xb8;
	[tilespmem:$0xCE00] =	vst v63  }
0xec: {  	s29 =	sadd.s32 $0xFFFFFFFF, s29  }
0xed: {  	[hbm4b:s14+s6] =	stream.indirect_vreg.scatter @!p0 [tilespmem:s9], [sflag:$0x4], $0x80, v5, vm2, $0xb8;
	[tilespmem:$0xCE00] =	vst v63  }
0xee: {  	p0 =	sne.s32 s29, $0x0  }
.Ltmp12:
0xef: {  	_ = 	snop;
	(pc) =	sbr.rel @p0 .LBB2_17-.Ltmp12, $3  }
0xf0: {  	_ =	sdelay $0x1  }
0xf1: {  	s31 =	sadd.s32 $0x2, s31  }
0xf2: {  	s30 =	sadd.s32 $0xFFFFFFE0, s30;
	s8 =	sadd.s32 $0x20, s8;
	s5 =	sadd.s32 $0x20, s5  }
.Ltmp13:
0xf3: {  	_ = 	snop;
	(pc) =	sbr.rel .LBB2_18-.Ltmp13, $1  }
0xf4: {  	_ =	sdelay $0x3  }
.LBB2_19:
0xf5: {  	_ =	sfence.sel $0x180000  }
0xf6: {  	[bflag:$0x0] =	sbarrier.arrive $0xFFFF  }
0xf7: {  	_ =	strace $0x90000047  }
0xf8: {  	s0 =	stileid.u32;
	[bflag:$0x2] =	sbarrier.arrive $0xFFFF  }
0xf9: {  	p0 =	sne.s32 s0, $0x0;
	s0 =	rddreg [dreg:$0xb]  }
0xfa: {  	s0 =	sadd.s32 @!p0 $0x100000, s0  }
0xfb: {  	[sflag:s0] =	ssyncadd.tile.s32 @!p0 $0x1;
	_ =	shalt  }
.Lfunc_end2:
_tile_overlayer_lowered:
.L_overlay_start_2:
0xfc: {  	(tag) =	ssettag $0x2  }
0xfd: {  	s0 =	rddreg [dreg:$0x0];
	s2 =	stileid.u32  }
0xfe: {  	s1 =	rddreg [dreg:$0x1];
	p0 =	sne.s32 s2, $0x0  }
0xff: {  	s3 =	rddreg [dreg:$0x2];
	[bflag:$0x3] =	sbarrier.arrive $0xFFFF;
	s2 =	simm.s32 @!p0 $0x1C05  }
0x100: {  	[timem:s3], [sflag:s2] =	dma.local @!p0 [hbm:s0], s1  }
0x101: {  	s0 =	simm.s32 @!p0 $0x5  }
0x102: {  	_ =	swait.ge @!p0 [sflag:s0], s1  }
0x103: {  	s1 =	ssub.s32 @!p0 $0x0, s1;
	[sflag:s0] =	ssyncset.done @!p0 $0x0  }
0x104: {  	[sflag:s0] =	ssyncadd.s32 @!p0 s1  }
0x105: {  	[bflag:$0x3] =	sbarrier.arrive $0xFFFF  }
0x106: {  	_ =	shalt  }

</sc_bundles>
